<compile_context>
chip_gen: v7x
topology: tpu7x:2x2x1
jax: 0.10.2.dev20260603
libtpu: 0.0.44.dev20260713+nightly
codegen_flags: <defaults>
</compile_context>

<pallas_src>
import functools
import jax
import jax.numpy as jnp
from jax import lax
from jax.experimental import pallas as pl
from jax.experimental.pallas import tpu as pltpu
from jax.experimental.pallas import tpu_sc as plsc

E = 8
D = 1024
R = 16
DQ = 1024
DV = 1024
SCALE = 32.0 / 16.0
ER = E * R
T = 2048
NW = 32
TPW = T // NW


def _stage1_kernel(h_ref, wrt_ref, qa_ref, va_ref,
                   logitsT_ref, lr_q_ref, lr_v_ref):
    h = h_ref[...]
    wr = wrt_ref[...]
    logitsT_ref[...] = lax.dot_general(
        wr, h, (((1,), (1,)), ((), ())), preferred_element_type=jnp.float32)
    lr_q_ref[...] = jnp.dot(h, qa_ref[...], preferred_element_type=jnp.float32)
    lr_v_ref[...] = jnp.dot(h, va_ref[...], preferred_element_type=jnp.float32)


def _sc_route_kernel(logitsT_hbm, scaled_hbm, idx_hbm, lt_v, sc_v, ix_v):
    wid = lax.axis_index("s") * 2 + lax.axis_index("c")
    base = wid * TPW
    for e in range(E):
        pltpu.sync_copy(logitsT_hbm.at[e, pl.ds(base, TPW)], lt_v.at[e])
    for g in range(TPW // 16):
        vecs = [lt_v[e, pl.ds(g * 16, 16)] for e in range(E)]
        m = vecs[0]
        for e in range(1, E):
            m = jnp.maximum(m, vecs[e])
        s = jnp.exp(vecs[0] - m)
        for e in range(1, E):
            s = s + jnp.exp(vecs[e] - m)
        sc_v[pl.ds(g * 16, 16)] = SCALE / s
        idx = jnp.full((16,), E - 1, dtype=jnp.int32)
        for e in range(E - 2, -1, -1):
            idx = jnp.where(vecs[e] == m, jnp.full((16,), e, jnp.int32), idx)
        ix_v[pl.ds(g * 16, 16)] = idx
    pltpu.sync_copy(sc_v, scaled_hbm.at[pl.ds(base, TPW)])
    pltpu.sync_copy(ix_v, idx_hbm.at[pl.ds(base, TPW)])


def _stage3_kernel(lr_q_ref, lr_v_ref, scaled_ref, idx_ref, qb_ref, vb_ref,
                   q_out_ref, v_out_ref):
    ts = lr_q_ref.shape[0]
    col_expert = lax.broadcasted_iota(jnp.int32, (ts, ER), 1) // R
    mask = jnp.where(col_expert == idx_ref[...], scaled_ref[...], 0.0)
    q_out_ref[...] = jnp.dot(lr_q_ref[...] * mask, qb_ref[...],
                             preferred_element_type=jnp.float32)
    v_out_ref[...] = jnp.dot(lr_v_ref[...] * mask, vb_ref[...],
                             preferred_element_type=jnp.float32)


def kernel(hidden_states, router_weight, q_lora_a, q_lora_b, v_lora_a, v_lora_b):
    orig_shape = hidden_states.shape[:-1]
    h = hidden_states.reshape(-1, D)
    qa = q_lora_a.transpose(1, 0, 2).reshape(D, ER)
    qb = q_lora_b.reshape(ER, DQ)
    va = v_lora_a.transpose(1, 0, 2).reshape(D, ER)
    vb = v_lora_b.reshape(ER, DV)

    TS = 1024
    grid = (T // TS,)
    logitsT, lr_q, lr_v = pl.pallas_call(
        _stage1_kernel,
        grid=grid,
        in_specs=[
            pl.BlockSpec((TS, D), lambda i: (i, 0)),
            pl.BlockSpec((E, D), lambda i: (0, 0)),
            pl.BlockSpec((D, ER), lambda i: (0, 0)),
            pl.BlockSpec((D, ER), lambda i: (0, 0)),
        ],
        out_specs=[
            pl.BlockSpec((E, TS), lambda i: (0, i)),
            pl.BlockSpec((TS, ER), lambda i: (i, 0)),
            pl.BlockSpec((TS, ER), lambda i: (i, 0)),
        ],
        out_shape=[
            jax.ShapeDtypeStruct((E, T), jnp.float32),
            jax.ShapeDtypeStruct((T, ER), jnp.float32),
            jax.ShapeDtypeStruct((T, ER), jnp.float32),
        ],
    )(h, router_weight, qa, va)

    sc_route = functools.partial(
        pl.kernel,
        mesh=plsc.VectorSubcoreMesh(core_axis_name="c", subcore_axis_name="s"),
        out_type=[
            jax.ShapeDtypeStruct((T,), jnp.float32),
            jax.ShapeDtypeStruct((T,), jnp.int32),
        ],
        scratch_types=[
            pltpu.VMEM((E, TPW), jnp.float32),
            pltpu.VMEM((TPW,), jnp.float32),
            pltpu.VMEM((TPW,), jnp.int32),
        ],
    )(_sc_route_kernel)
    scaled, idx = sc_route(logitsT)

    q_out, v_out = pl.pallas_call(
        _stage3_kernel,
        grid=grid,
        in_specs=[
            pl.BlockSpec((TS, ER), lambda i: (i, 0)),
            pl.BlockSpec((TS, ER), lambda i: (i, 0)),
            pl.BlockSpec((TS, 1), lambda i: (i, 0)),
            pl.BlockSpec((TS, 1), lambda i: (i, 0)),
            pl.BlockSpec((ER, DQ), lambda i: (0, 0)),
            pl.BlockSpec((ER, DV), lambda i: (0, 0)),
        ],
        out_specs=[
            pl.BlockSpec((TS, DQ), lambda i: (i, 0)),
            pl.BlockSpec((TS, DV), lambda i: (i, 0)),
        ],
        out_shape=[
            jax.ShapeDtypeStruct((T, DQ), jnp.float32),
            jax.ShapeDtypeStruct((T, DV), jnp.float32),
        ],
    )(lr_q, lr_v, scaled.reshape(T, 1), idx.reshape(T, 1), qb, vb)
    return (q_out.reshape(orig_shape + (DQ,)),
            v_out.reshape(orig_shape + (DV,)))

# --- scband reference (transcript-rebuilt; emitter-appended) ---
"""Pipeline reference for scband-qvlora-expert-router-63153199120805 (READ-ONLY COPY).

The authoritative reference and input builder live on the scoring server;
editing this copy changes nothing except your own understanding.
"""

import jax, jax.numpy as jnp
import numpy as np

E = 8
D = 1024
R = 16
DQ = 1024
DV = 1024
SCALE = 32.0 / 16.0


def setup_inputs(seed: int = 0) -> dict:
    key = jax.random.key(seed)
    ks = jax.random.split(key, 6)
    hidden_states = jax.random.normal(ks[0], (1, 2048, D), dtype=jnp.float32)
    router_weight = jax.random.normal(ks[1], (E, D), dtype=jnp.float32) * 0.02
    q_lora_a = jax.random.normal(ks[2], (E, D, R), dtype=jnp.float32) * 0.02
    q_lora_b = jax.random.normal(ks[3], (E, R, DQ), dtype=jnp.float32) * 0.02
    v_lora_a = jax.random.normal(ks[4], (E, D, R), dtype=jnp.float32) * 0.02
    v_lora_b = jax.random.normal(ks[5], (E, R, DV), dtype=jnp.float32) * 0.02
    return {
        "hidden_states": hidden_states,
        "router_weight": router_weight,
        "q_lora_a": q_lora_a,
        "q_lora_b": q_lora_b,
        "v_lora_a": v_lora_a,
        "v_lora_b": v_lora_b,
    }


def _project_expert_delta(hidden_flat, original_shape, expert_idx, expert_scores, lora_a, lora_b, output_size):
    expert_a = jnp.take(lora_a, expert_idx, axis=0)  # [T, D, R]
    expert_b = jnp.take(lora_b, expert_idx, axis=0)  # [T, R, out]
    low_rank = jnp.einsum('td,tdr->tr', hidden_flat, expert_a)
    delta = jnp.einsum('tr,tro->to', low_rank, expert_b)
    delta = delta * expert_scores.astype(delta.dtype)[:, None] * SCALE
    return delta.reshape(original_shape + (output_size,))


def reference(hidden_states, router_weight, q_lora_a, q_lora_b, v_lora_a, v_lora_b):
    original_shape = hidden_states.shape[:-1]
    hidden_flat = hidden_states.reshape(-1, hidden_states.shape[-1])
    router_input = hidden_flat.astype(router_weight.dtype)
    router_logits = router_input @ router_weight.T
    router_probs = jax.nn.softmax(router_logits.astype(jnp.float32), axis=-1)
    expert_scores = jnp.max(router_probs, axis=-1)
    expert_idx = jnp.argmax(router_probs, axis=-1)
    q_delta = _project_expert_delta(hidden_flat, original_shape, expert_idx, expert_scores, q_lora_a, q_lora_b, DQ)
    v_delta = _project_expert_delta(hidden_flat, original_shape, expert_idx, expert_scores, v_lora_a, v_lora_b, DV)
    return (q_delta, v_delta)

if __name__ == "__main__":
    import jax
    _d = setup_inputs()
    print(jax.jit(kernel)(*tuple(_d.values())))

</pallas_src>

<mosaic_0001>
#map = affine_map<(d0, d1) -> (0, 0)>
#map1 = affine_map<(d0, d1) -> (0)>
module attributes {stable_mosaic.version = 14 : i64} {
  func.func @_sc_route_kernel(%arg0: i32, %arg1: i32, %arg2: memref<8x2048xf32, #tpu.memory_space<hbm>>, %arg3: memref<2048xf32, #tpu.memory_space<hbm>>, %arg4: memref<2048xi32, #tpu.memory_space<hbm>>, %arg5: memref<8x64xf32, #tpu.memory_space<vmem>>, %arg6: memref<64xf32, #tpu.memory_space<vmem>>, %arg7: memref<64xi32, #tpu.memory_space<vmem>>) attributes {dimension_semantics = [#tpu.dimension_semantics<core_parallel>, #tpu.dimension_semantics<subcore_parallel>], iteration_bounds = array<i64: 2, 16>, scalar_prefetch = 0 : i64, scratch_operands = 3 : i64, tpu.core_type = #tpu.core_type<sc_vector_subcore>, window_params = [{transform_indices = #map}, {transform_indices = #map1}, {transform_indices = #map1}]} {
    %mul3A = arith.constant 2 : i32
    %mul3A_0 = arith.muli %arg1, %mul3A : i32
    %add3A = arith.addi %mul3A_0, %arg0 : i32
    %mul3A_1 = arith.constant 64 : i32
    %mul3A_2 = arith.muli %add3A, %mul3A_1 : i32
    %run_scoped3A = arith.constant 0 : i32
    %run_scoped3A_3 = arith.constant 0 : i32
    "tpu.region"() ({
      %run_scoped3A_453 = tpu.sem_alloc : memref<!tpu.dma_semaphore, #tpu.memory_space<semaphore_mem>>
      %dma_start3A = arith.constant 0 : i32
      %dma_start3A_454 = tpu.memref_slice %arg5[%run_scoped3A_3, %dma_start3A] : memref<8x64xf32, #tpu.memory_space<vmem>> -> memref<1x64xf32, #tpu.memory_space<vmem>>
      %dma_start3A_455 = tpu.memref_squeeze %dma_start3A_454 : memref<1x64xf32, #tpu.memory_space<vmem>> -> memref<64xf32, #tpu.memory_space<vmem>>
      %dma_start3A_456 = tpu.memref_slice %arg2[%run_scoped3A, %mul3A_2] : memref<8x2048xf32, #tpu.memory_space<hbm>> -> memref<1x64xf32, #tpu.memory_space<hbm>>
      %dma_start3A_457 = tpu.memref_squeeze %dma_start3A_456 : memref<1x64xf32, #tpu.memory_space<hbm>> -> memref<64xf32, #tpu.memory_space<hbm>>
      %dma_start3A_458 = arith.constant 0 : i32
      %dma_start3A_459 = tpu.memref_slice %arg5[%run_scoped3A_3, %dma_start3A_458] : memref<8x64xf32, #tpu.memory_space<vmem>> -> memref<1x64xf32, #tpu.memory_space<vmem>>
      %dma_start3A_460 = tpu.memref_squeeze %dma_start3A_459 : memref<1x64xf32, #tpu.memory_space<vmem>> -> memref<64xf32, #tpu.memory_space<vmem>>
      %dma_start3A_461 = tpu.memref_slice %arg2[%run_scoped3A, %mul3A_2] : memref<8x2048xf32, #tpu.memory_space<hbm>> -> memref<1x64xf32, #tpu.memory_space<hbm>>
      %dma_start3A_462 = tpu.memref_squeeze %dma_start3A_461 : memref<1x64xf32, #tpu.memory_space<hbm>> -> memref<64xf32, #tpu.memory_space<hbm>>
      tpu.enqueue_dma source(%dma_start3A_462 : memref<64xf32, #tpu.memory_space<hbm>>) target(%dma_start3A_460 : memref<64xf32, #tpu.memory_space<vmem>>) target_semaphore(%run_scoped3A_453 : memref<!tpu.dma_semaphore, #tpu.memory_space<semaphore_mem>>)
      %dma_wait3A = arith.constant 0 : i32
      %dma_wait3A_463 = tpu.memref_slice %arg5[%run_scoped3A_3, %dma_wait3A] : memref<8x64xf32, #tpu.memory_space<vmem>> -> memref<1x64xf32, #tpu.memory_space<vmem>>
      %dma_wait3A_464 = tpu.memref_squeeze %dma_wait3A_463 : memref<1x64xf32, #tpu.memory_space<vmem>> -> memref<64xf32, #tpu.memory_space<vmem>>
      %dma_wait3A_465 = tpu.memref_slice %arg2[%run_scoped3A, %mul3A_2] : memref<8x2048xf32, #tpu.memory_space<hbm>> -> memref<1x64xf32, #tpu.memory_space<hbm>>
      %dma_wait3A_466 = tpu.memref_squeeze %dma_wait3A_465 : memref<1x64xf32, #tpu.memory_space<hbm>> -> memref<64xf32, #tpu.memory_space<hbm>>
      %dma_wait3A_467 = arith.constant 0 : i32
      %dma_wait3A_468 = tpu.memref_slice %arg5[%run_scoped3A_3, %dma_wait3A_467] : memref<8x64xf32, #tpu.memory_space<vmem>> -> memref<1x64xf32, #tpu.memory_space<vmem>>
      %dma_wait3A_469 = tpu.memref_squeeze %dma_wait3A_468 : memref<1x64xf32, #tpu.memory_space<vmem>> -> memref<64xf32, #tpu.memory_space<vmem>>
      %dma_wait3A_470 = tpu.memref_slice %arg2[%run_scoped3A, %mul3A_2] : memref<8x2048xf32, #tpu.memory_space<hbm>> -> memref<1x64xf32, #tpu.memory_space<hbm>>
      %dma_wait3A_471 = tpu.memref_squeeze %dma_wait3A_470 : memref<1x64xf32, #tpu.memory_space<hbm>> -> memref<64xf32, #tpu.memory_space<hbm>>
      tpu.wait_dma2 semaphore(%run_scoped3A_453 : memref<!tpu.dma_semaphore, #tpu.memory_space<semaphore_mem>>) src(%dma_wait3A_471 : memref<64xf32, #tpu.memory_space<hbm>>) dst(%dma_wait3A_469 : memref<64xf32, #tpu.memory_space<vmem>>)
      tpu.yield
    }) : () -> ()
    %run_scoped3A_4 = arith.constant 1 : i32
    %run_scoped3A_5 = arith.constant 1 : i32
    "tpu.region"() ({
      %run_scoped3A_453 = tpu.sem_alloc : memref<!tpu.dma_semaphore, #tpu.memory_space<semaphore_mem>>
      %dma_start3A = arith.constant 0 : i32
      %dma_start3A_454 = tpu.memref_slice %arg5[%run_scoped3A_5, %dma_start3A] : memref<8x64xf32, #tpu.memory_space<vmem>> -> memref<1x64xf32, #tpu.memory_space<vmem>>
      %dma_start3A_455 = tpu.memref_squeeze %dma_start3A_454 : memref<1x64xf32, #tpu.memory_space<vmem>> -> memref<64xf32, #tpu.memory_space<vmem>>
      %dma_start3A_456 = tpu.memref_slice %arg2[%run_scoped3A_4, %mul3A_2] : memref<8x2048xf32, #tpu.memory_space<hbm>> -> memref<1x64xf32, #tpu.memory_space<hbm>>
      %dma_start3A_457 = tpu.memref_squeeze %dma_start3A_456 : memref<1x64xf32, #tpu.memory_space<hbm>> -> memref<64xf32, #tpu.memory_space<hbm>>
      %dma_start3A_458 = arith.constant 0 : i32
      %dma_start3A_459 = tpu.memref_slice %arg5[%run_scoped3A_5, %dma_start3A_458] : memref<8x64xf32, #tpu.memory_space<vmem>> -> memref<1x64xf32, #tpu.memory_space<vmem>>
      %dma_start3A_460 = tpu.memref_squeeze %dma_start3A_459 : memref<1x64xf32, #tpu.memory_space<vmem>> -> memref<64xf32, #tpu.memory_space<vmem>>
      %dma_start3A_461 = tpu.memref_slice %arg2[%run_scoped3A_4, %mul3A_2] : memref<8x2048xf32, #tpu.memory_space<hbm>> -> memref<1x64xf32, #tpu.memory_space<hbm>>
      %dma_start3A_462 = tpu.memref_squeeze %dma_start3A_461 : memref<1x64xf32, #tpu.memory_space<hbm>> -> memref<64xf32, #tpu.memory_space<hbm>>
      tpu.enqueue_dma source(%dma_start3A_462 : memref<64xf32, #tpu.memory_space<hbm>>) target(%dma_start3A_460 : memref<64xf32, #tpu.memory_space<vmem>>) target_semaphore(%run_scoped3A_453 : memref<!tpu.dma_semaphore, #tpu.memory_space<semaphore_mem>>)
      %dma_wait3A = arith.constant 0 : i32
      %dma_wait3A_463 = tpu.memref_slice %arg5[%run_scoped3A_5, %dma_wait3A] : memref<8x64xf32, #tpu.memory_space<vmem>> -> memref<1x64xf32, #tpu.memory_space<vmem>>
      %dma_wait3A_464 = tpu.memref_squeeze %dma_wait3A_463 : memref<1x64xf32, #tpu.memory_space<vmem>> -> memref<64xf32, #tpu.memory_space<vmem>>
      %dma_wait3A_465 = tpu.memref_slice %arg2[%run_scoped3A_4, %mul3A_2] : memref<8x2048xf32, #tpu.memory_space<hbm>> -> memref<1x64xf32, #tpu.memory_space<hbm>>
      %dma_wait3A_466 = tpu.memref_squeeze %dma_wait3A_465 : memref<1x64xf32, #tpu.memory_space<hbm>> -> memref<64xf32, #tpu.memory_space<hbm>>
      %dma_wait3A_467 = arith.constant 0 : i32
      %dma_wait3A_468 = tpu.memref_slice %arg5[%run_scoped3A_5, %dma_wait3A_467] : memref<8x64xf32, #tpu.memory_space<vmem>> -> memref<1x64xf32, #tpu.memory_space<vmem>>
      %dma_wait3A_469 = tpu.memref_squeeze %dma_wait3A_468 : memref<1x64xf32, #tpu.memory_space<vmem>> -> memref<64xf32, #tpu.memory_space<vmem>>
      %dma_wait3A_470 = tpu.memref_slice %arg2[%run_scoped3A_4, %mul3A_2] : memref<8x2048xf32, #tpu.memory_space<hbm>> -> memref<1x64xf32, #tpu.memory_space<hbm>>
      %dma_wait3A_471 = tpu.memref_squeeze %dma_wait3A_470 : memref<1x64xf32, #tpu.memory_space<hbm>> -> memref<64xf32, #tpu.memory_space<hbm>>
      tpu.wait_dma2 semaphore(%run_scoped3A_453 : memref<!tpu.dma_semaphore, #tpu.memory_space<semaphore_mem>>) src(%dma_wait3A_471 : memref<64xf32, #tpu.memory_space<hbm>>) dst(%dma_wait3A_469 : memref<64xf32, #tpu.memory_space<vmem>>)
      tpu.yield
    }) : () -> ()
    %run_scoped3A_6 = arith.constant 2 : i32
    %run_scoped3A_7 = arith.constant 2 : i32
    "tpu.region"() ({
      %run_scoped3A_453 = tpu.sem_alloc : memref<!tpu.dma_semaphore, #tpu.memory_space<semaphore_mem>>
      %dma_start3A = arith.constant 0 : i32
      %dma_start3A_454 = tpu.memref_slice %arg5[%run_scoped3A_7, %dma_start3A] : memref<8x64xf32, #tpu.memory_space<vmem>> -> memref<1x64xf32, #tpu.memory_space<vmem>>
      %dma_start3A_455 = tpu.memref_squeeze %dma_start3A_454 : memref<1x64xf32, #tpu.memory_space<vmem>> -> memref<64xf32, #tpu.memory_space<vmem>>
      %dma_start3A_456 = tpu.memref_slice %arg2[%run_scoped3A_6, %mul3A_2] : memref<8x2048xf32, #tpu.memory_space<hbm>> -> memref<1x64xf32, #tpu.memory_space<hbm>>
      %dma_start3A_457 = tpu.memref_squeeze %dma_start3A_456 : memref<1x64xf32, #tpu.memory_space<hbm>> -> memref<64xf32, #tpu.memory_space<hbm>>
      %dma_start3A_458 = arith.constant 0 : i32
      %dma_start3A_459 = tpu.memref_slice %arg5[%run_scoped3A_7, %dma_start3A_458] : memref<8x64xf32, #tpu.memory_space<vmem>> -> memref<1x64xf32, #tpu.memory_space<vmem>>
      %dma_start3A_460 = tpu.memref_squeeze %dma_start3A_459 : memref<1x64xf32, #tpu.memory_space<vmem>> -> memref<64xf32, #tpu.memory_space<vmem>>
      %dma_start3A_461 = tpu.memref_slice %arg2[%run_scoped3A_6, %mul3A_2] : memref<8x2048xf32, #tpu.memory_space<hbm>> -> memref<1x64xf32, #tpu.memory_space<hbm>>
      %dma_start3A_462 = tpu.memref_squeeze %dma_start3A_461 : memref<1x64xf32, #tpu.memory_space<hbm>> -> memref<64xf32, #tpu.memory_space<hbm>>
      tpu.enqueue_dma source(%dma_start3A_462 : memref<64xf32, #tpu.memory_space<hbm>>) target(%dma_start3A_460 : memref<64xf32, #tpu.memory_space<vmem>>) target_semaphore(%run_scoped3A_453 : memref<!tpu.dma_semaphore, #tpu.memory_space<semaphore_mem>>)
      %dma_wait3A = arith.constant 0 : i32
      %dma_wait3A_463 = tpu.memref_slice %arg5[%run_scoped3A_7, %dma_wait3A] : memref<8x64xf32, #tpu.memory_space<vmem>> -> memref<1x64xf32, #tpu.memory_space<vmem>>
      %dma_wait3A_464 = tpu.memref_squeeze %dma_wait3A_463 : memref<1x64xf32, #tpu.memory_space<vmem>> -> memref<64xf32, #tpu.memory_space<vmem>>
      %dma_wait3A_465 = tpu.memref_slice %arg2[%run_scoped3A_6, %mul3A_2] : memref<8x2048xf32, #tpu.memory_space<hbm>> -> memref<1x64xf32, #tpu.memory_space<hbm>>
      %dma_wait3A_466 = tpu.memref_squeeze %dma_wait3A_465 : memref<1x64xf32, #tpu.memory_space<hbm>> -> memref<64xf32, #tpu.memory_space<hbm>>
      %dma_wait3A_467 = arith.constant 0 : i32
      %dma_wait3A_468 = tpu.memref_slice %arg5[%run_scoped3A_7, %dma_wait3A_467] : memref<8x64xf32, #tpu.memory_space<vmem>> -> memref<1x64xf32, #tpu.memory_space<vmem>>
      %dma_wait3A_469 = tpu.memref_squeeze %dma_wait3A_468 : memref<1x64xf32, #tpu.memory_space<vmem>> -> memref<64xf32, #tpu.memory_space<vmem>>
      %dma_wait3A_470 = tpu.memref_slice %arg2[%run_scoped3A_6, %mul3A_2] : memref<8x2048xf32, #tpu.memory_space<hbm>> -> memref<1x64xf32, #tpu.memory_space<hbm>>
      %dma_wait3A_471 = tpu.memref_squeeze %dma_wait3A_470 : memref<1x64xf32, #tpu.memory_space<hbm>> -> memref<64xf32, #tpu.memory_space<hbm>>
      tpu.wait_dma2 semaphore(%run_scoped3A_453 : memref<!tpu.dma_semaphore, #tpu.memory_space<semaphore_mem>>) src(%dma_wait3A_471 : memref<64xf32, #tpu.memory_space<hbm>>) dst(%dma_wait3A_469 : memref<64xf32, #tpu.memory_space<vmem>>)
      tpu.yield
    }) : () -> ()
    %run_scoped3A_8 = arith.constant 3 : i32
    %run_scoped3A_9 = arith.constant 3 : i32
    "tpu.region"() ({
      %run_scoped3A_453 = tpu.sem_alloc : memref<!tpu.dma_semaphore, #tpu.memory_space<semaphore_mem>>
      %dma_start3A = arith.constant 0 : i32
      %dma_start3A_454 = tpu.memref_slice %arg5[%run_scoped3A_9, %dma_start3A] : memref<8x64xf32, #tpu.memory_space<vmem>> -> memref<1x64xf32, #tpu.memory_space<vmem>>
      %dma_start3A_455 = tpu.memref_squeeze %dma_start3A_454 : memref<1x64xf32, #tpu.memory_space<vmem>> -> memref<64xf32, #tpu.memory_space<vmem>>
      %dma_start3A_456 = tpu.memref_slice %arg2[%run_scoped3A_8, %mul3A_2] : memref<8x2048xf32, #tpu.memory_space<hbm>> -> memref<1x64xf32, #tpu.memory_space<hbm>>
      %dma_start3A_457 = tpu.memref_squeeze %dma_start3A_456 : memref<1x64xf32, #tpu.memory_space<hbm>> -> memref<64xf32, #tpu.memory_space<hbm>>
      %dma_start3A_458 = arith.constant 0 : i32
      %dma_start3A_459 = tpu.memref_slice %arg5[%run_scoped3A_9, %dma_start3A_458] : memref<8x64xf32, #tpu.memory_space<vmem>> -> memref<1x64xf32, #tpu.memory_space<vmem>>
      %dma_start3A_460 = tpu.memref_squeeze %dma_start3A_459 : memref<1x64xf32, #tpu.memory_space<vmem>> -> memref<64xf32, #tpu.memory_space<vmem>>
      %dma_start3A_461 = tpu.memref_slice %arg2[%run_scoped3A_8, %mul3A_2] : memref<8x2048xf32, #tpu.memory_space<hbm>> -> memref<1x64xf32, #tpu.memory_space<hbm>>
      %dma_start3A_462 = tpu.memref_squeeze %dma_start3A_461 : memref<1x64xf32, #tpu.memory_space<hbm>> -> memref<64xf32, #tpu.memory_space<hbm>>
      tpu.enqueue_dma source(%dma_start3A_462 : memref<64xf32, #tpu.memory_space<hbm>>) target(%dma_start3A_460 : memref<64xf32, #tpu.memory_space<vmem>>) target_semaphore(%run_scoped3A_453 : memref<!tpu.dma_semaphore, #tpu.memory_space<semaphore_mem>>)
      %dma_wait3A = arith.constant 0 : i32
      %dma_wait3A_463 = tpu.memref_slice %arg5[%run_scoped3A_9, %dma_wait3A] : memref<8x64xf32, #tpu.memory_space<vmem>> -> memref<1x64xf32, #tpu.memory_space<vmem>>
      %dma_wait3A_464 = tpu.memref_squeeze %dma_wait3A_463 : memref<1x64xf32, #tpu.memory_space<vmem>> -> memref<64xf32, #tpu.memory_space<vmem>>
      %dma_wait3A_465 = tpu.memref_slice %arg2[%run_scoped3A_8, %mul3A_2] : memref<8x2048xf32, #tpu.memory_space<hbm>> -> memref<1x64xf32, #tpu.memory_space<hbm>>
      %dma_wait3A_466 = tpu.memref_squeeze %dma_wait3A_465 : memref<1x64xf32, #tpu.memory_space<hbm>> -> memref<64xf32, #tpu.memory_space<hbm>>
      %dma_wait3A_467 = arith.constant 0 : i32
      %dma_wait3A_468 = tpu.memref_slice %arg5[%run_scoped3A_9, %dma_wait3A_467] : memref<8x64xf32, #tpu.memory_space<vmem>> -> memref<1x64xf32, #tpu.memory_space<vmem>>
      %dma_wait3A_469 = tpu.memref_squeeze %dma_wait3A_468 : memref<1x64xf32, #tpu.memory_space<vmem>> -> memref<64xf32, #tpu.memory_space<vmem>>
      %dma_wait3A_470 = tpu.memref_slice %arg2[%run_scoped3A_8, %mul3A_2] : memref<8x2048xf32, #tpu.memory_space<hbm>> -> memref<1x64xf32, #tpu.memory_space<hbm>>
      %dma_wait3A_471 = tpu.memref_squeeze %dma_wait3A_470 : memref<1x64xf32, #tpu.memory_space<hbm>> -> memref<64xf32, #tpu.memory_space<hbm>>
      tpu.wait_dma2 semaphore(%run_scoped3A_453 : memref<!tpu.dma_semaphore, #tpu.memory_space<semaphore_mem>>) src(%dma_wait3A_471 : memref<64xf32, #tpu.memory_space<hbm>>) dst(%dma_wait3A_469 : memref<64xf32, #tpu.memory_space<vmem>>)
      tpu.yield
    }) : () -> ()
    %run_scoped3A_10 = arith.constant 4 : i32
    %run_scoped3A_11 = arith.constant 4 : i32
    "tpu.region"() ({
      %run_scoped3A_453 = tpu.sem_alloc : memref<!tpu.dma_semaphore, #tpu.memory_space<semaphore_mem>>
      %dma_start3A = arith.constant 0 : i32
      %dma_start3A_454 = tpu.memref_slice %arg5[%run_scoped3A_11, %dma_start3A] : memref<8x64xf32, #tpu.memory_space<vmem>> -> memref<1x64xf32, #tpu.memory_space<vmem>>
      %dma_start3A_455 = tpu.memref_squeeze %dma_start3A_454 : memref<1x64xf32, #tpu.memory_space<vmem>> -> memref<64xf32, #tpu.memory_space<vmem>>
      %dma_start3A_456 = tpu.memref_slice %arg2[%run_scoped3A_10, %mul3A_2] : memref<8x2048xf32, #tpu.memory_space<hbm>> -> memref<1x64xf32, #tpu.memory_space<hbm>>
      %dma_start3A_457 = tpu.memref_squeeze %dma_start3A_456 : memref<1x64xf32, #tpu.memory_space<hbm>> -> memref<64xf32, #tpu.memory_space<hbm>>
      %dma_start3A_458 = arith.constant 0 : i32
      %dma_start3A_459 = tpu.memref_slice %arg5[%run_scoped3A_11, %dma_start3A_458] : memref<8x64xf32, #tpu.memory_space<vmem>> -> memref<1x64xf32, #tpu.memory_space<vmem>>
      %dma_start3A_460 = tpu.memref_squeeze %dma_start3A_459 : memref<1x64xf32, #tpu.memory_space<vmem>> -> memref<64xf32, #tpu.memory_space<vmem>>
      %dma_start3A_461 = tpu.memref_slice %arg2[%run_scoped3A_10, %mul3A_2] : memref<8x2048xf32, #tpu.memory_space<hbm>> -> memref<1x64xf32, #tpu.memory_space<hbm>>
      %dma_start3A_462 = tpu.memref_squeeze %dma_start3A_461 : memref<1x64xf32, #tpu.memory_space<hbm>> -> memref<64xf32, #tpu.memory_space<hbm>>
      tpu.enqueue_dma source(%dma_start3A_462 : memref<64xf32, #tpu.memory_space<hbm>>) target(%dma_start3A_460 : memref<64xf32, #tpu.memory_space<vmem>>) target_semaphore(%run_scoped3A_453 : memref<!tpu.dma_semaphore, #tpu.memory_space<semaphore_mem>>)
      %dma_wait3A = arith.constant 0 : i32
      %dma_wait3A_463 = tpu.memref_slice %arg5[%run_scoped3A_11, %dma_wait3A] : memref<8x64xf32, #tpu.memory_space<vmem>> -> memref<1x64xf32, #tpu.memory_space<vmem>>
      %dma_wait3A_464 = tpu.memref_squeeze %dma_wait3A_463 : memref<1x64xf32, #tpu.memory_space<vmem>> -> memref<64xf32, #tpu.memory_space<vmem>>
      %dma_wait3A_465 = tpu.memref_slice %arg2[%run_scoped3A_10, %mul3A_2] : memref<8x2048xf32, #tpu.memory_space<hbm>> -> memref<1x64xf32, #tpu.memory_space<hbm>>
      %dma_wait3A_466 = tpu.memref_squeeze %dma_wait3A_465 : memref<1x64xf32, #tpu.memory_space<hbm>> -> memref<64xf32, #tpu.memory_space<hbm>>
      %dma_wait3A_467 = arith.constant 0 : i32
      %dma_wait3A_468 = tpu.memref_slice %arg5[%run_scoped3A_11, %dma_wait3A_467] : memref<8x64xf32, #tpu.memory_space<vmem>> -> memref<1x64xf32, #tpu.memory_space<vmem>>
      %dma_wait3A_469 = tpu.memref_squeeze %dma_wait3A_468 : memref<1x64xf32, #tpu.memory_space<vmem>> -> memref<64xf32, #tpu.memory_space<vmem>>
      %dma_wait3A_470 = tpu.memref_slice %arg2[%run_scoped3A_10, %mul3A_2] : memref<8x2048xf32, #tpu.memory_space<hbm>> -> memref<1x64xf32, #tpu.memory_space<hbm>>
      %dma_wait3A_471 = tpu.memref_squeeze %dma_wait3A_470 : memref<1x64xf32, #tpu.memory_space<hbm>> -> memref<64xf32, #tpu.memory_space<hbm>>
      tpu.wait_dma2 semaphore(%run_scoped3A_453 : memref<!tpu.dma_semaphore, #tpu.memory_space<semaphore_mem>>) src(%dma_wait3A_471 : memref<64xf32, #tpu.memory_space<hbm>>) dst(%dma_wait3A_469 : memref<64xf32, #tpu.memory_space<vmem>>)
      tpu.yield
    }) : () -> ()
    %run_scoped3A_12 = arith.constant 5 : i32
    %run_scoped3A_13 = arith.constant 5 : i32
    "tpu.region"() ({
      %run_scoped3A_453 = tpu.sem_alloc : memref<!tpu.dma_semaphore, #tpu.memory_space<semaphore_mem>>
      %dma_start3A = arith.constant 0 : i32
      %dma_start3A_454 = tpu.memref_slice %arg5[%run_scoped3A_13, %dma_start3A] : memref<8x64xf32, #tpu.memory_space<vmem>> -> memref<1x64xf32, #tpu.memory_space<vmem>>
      %dma_start3A_455 = tpu.memref_squeeze %dma_start3A_454 : memref<1x64xf32, #tpu.memory_space<vmem>> -> memref<64xf32, #tpu.memory_space<vmem>>
      %dma_start3A_456 = tpu.memref_slice %arg2[%run_scoped3A_12, %mul3A_2] : memref<8x2048xf32, #tpu.memory_space<hbm>> -> memref<1x64xf32, #tpu.memory_space<hbm>>
      %dma_start3A_457 = tpu.memref_squeeze %dma_start3A_456 : memref<1x64xf32, #tpu.memory_space<hbm>> -> memref<64xf32, #tpu.memory_space<hbm>>
      %dma_start3A_458 = arith.constant 0 : i32
      %dma_start3A_459 = tpu.memref_slice %arg5[%run_scoped3A_13, %dma_start3A_458] : memref<8x64xf32, #tpu.memory_space<vmem>> -> memref<1x64xf32, #tpu.memory_space<vmem>>
      %dma_start3A_460 = tpu.memref_squeeze %dma_start3A_459 : memref<1x64xf32, #tpu.memory_space<vmem>> -> memref<64xf32, #tpu.memory_space<vmem>>
      %dma_start3A_461 = tpu.memref_slice %arg2[%run_scoped3A_12, %mul3A_2] : memref<8x2048xf32, #tpu.memory_space<hbm>> -> memref<1x64xf32, #tpu.memory_space<hbm>>
      %dma_start3A_462 = tpu.memref_squeeze %dma_start3A_461 : memref<1x64xf32, #tpu.memory_space<hbm>> -> memref<64xf32, #tpu.memory_space<hbm>>
      tpu.enqueue_dma source(%dma_start3A_462 : memref<64xf32, #tpu.memory_space<hbm>>) target(%dma_start3A_460 : memref<64xf32, #tpu.memory_space<vmem>>) target_semaphore(%run_scoped3A_453 : memref<!tpu.dma_semaphore, #tpu.memory_space<semaphore_mem>>)
      %dma_wait3A = arith.constant 0 : i32
      %dma_wait3A_463 = tpu.memref_slice %arg5[%run_scoped3A_13, %dma_wait3A] : memref<8x64xf32, #tpu.memory_space<vmem>> -> memref<1x64xf32, #tpu.memory_space<vmem>>
      %dma_wait3A_464 = tpu.memref_squeeze %dma_wait3A_463 : memref<1x64xf32, #tpu.memory_space<vmem>> -> memref<64xf32, #tpu.memory_space<vmem>>
      %dma_wait3A_465 = tpu.memref_slice %arg2[%run_scoped3A_12, %mul3A_2] : memref<8x2048xf32, #tpu.memory_space<hbm>> -> memref<1x64xf32, #tpu.memory_space<hbm>>
      %dma_wait3A_466 = tpu.memref_squeeze %dma_wait3A_465 : memref<1x64xf32, #tpu.memory_space<hbm>> -> memref<64xf32, #tpu.memory_space<hbm>>
      %dma_wait3A_467 = arith.constant 0 : i32
      %dma_wait3A_468 = tpu.memref_slice %arg5[%run_scoped3A_13, %dma_wait3A_467] : memref<8x64xf32, #tpu.memory_space<vmem>> -> memref<1x64xf32, #tpu.memory_space<vmem>>
      %dma_wait3A_469 = tpu.memref_squeeze %dma_wait3A_468 : memref<1x64xf32, #tpu.memory_space<vmem>> -> memref<64xf32, #tpu.memory_space<vmem>>
      %dma_wait3A_470 = tpu.memref_slice %arg2[%run_scoped3A_12, %mul3A_2] : memref<8x2048xf32, #tpu.memory_space<hbm>> -> memref<1x64xf32, #tpu.memory_space<hbm>>
      %dma_wait3A_471 = tpu.memref_squeeze %dma_wait3A_470 : memref<1x64xf32, #tpu.memory_space<hbm>> -> memref<64xf32, #tpu.memory_space<hbm>>
      tpu.wait_dma2 semaphore(%run_scoped3A_453 : memref<!tpu.dma_semaphore, #tpu.memory_space<semaphore_mem>>) src(%dma_wait3A_471 : memref<64xf32, #tpu.memory_space<hbm>>) dst(%dma_wait3A_469 : memref<64xf32, #tpu.memory_space<vmem>>)
      tpu.yield
    }) : () -> ()
    %run_scoped3A_14 = arith.constant 6 : i32
    %run_scoped3A_15 = arith.constant 6 : i32
    "tpu.region"() ({
      %run_scoped3A_453 = tpu.sem_alloc : memref<!tpu.dma_semaphore, #tpu.memory_space<semaphore_mem>>
      %dma_start3A = arith.constant 0 : i32
      %dma_start3A_454 = tpu.memref_slice %arg5[%run_scoped3A_15, %dma_start3A] : memref<8x64xf32, #tpu.memory_space<vmem>> -> memref<1x64xf32, #tpu.memory_space<vmem>>
      %dma_start3A_455 = tpu.memref_squeeze %dma_start3A_454 : memref<1x64xf32, #tpu.memory_space<vmem>> -> memref<64xf32, #tpu.memory_space<vmem>>
      %dma_start3A_456 = tpu.memref_slice %arg2[%run_scoped3A_14, %mul3A_2] : memref<8x2048xf32, #tpu.memory_space<hbm>> -> memref<1x64xf32, #tpu.memory_space<hbm>>
      %dma_start3A_457 = tpu.memref_squeeze %dma_start3A_456 : memref<1x64xf32, #tpu.memory_space<hbm>> -> memref<64xf32, #tpu.memory_space<hbm>>
      %dma_start3A_458 = arith.constant 0 : i32
      %dma_start3A_459 = tpu.memref_slice %arg5[%run_scoped3A_15, %dma_start3A_458] : memref<8x64xf32, #tpu.memory_space<vmem>> -> memref<1x64xf32, #tpu.memory_space<vmem>>
      %dma_start3A_460 = tpu.memref_squeeze %dma_start3A_459 : memref<1x64xf32, #tpu.memory_space<vmem>> -> memref<64xf32, #tpu.memory_space<vmem>>
      %dma_start3A_461 = tpu.memref_slice %arg2[%run_scoped3A_14, %mul3A_2] : memref<8x2048xf32, #tpu.memory_space<hbm>> -> memref<1x64xf32, #tpu.memory_space<hbm>>
      %dma_start3A_462 = tpu.memref_squeeze %dma_start3A_461 : memref<1x64xf32, #tpu.memory_space<hbm>> -> memref<64xf32, #tpu.memory_space<hbm>>
      tpu.enqueue_dma source(%dma_start3A_462 : memref<64xf32, #tpu.memory_space<hbm>>) target(%dma_start3A_460 : memref<64xf32, #tpu.memory_space<vmem>>) target_semaphore(%run_scoped3A_453 : memref<!tpu.dma_semaphore, #tpu.memory_space<semaphore_mem>>)
      %dma_wait3A = arith.constant 0 : i32
      %dma_wait3A_463 = tpu.memref_slice %arg5[%run_scoped3A_15, %dma_wait3A] : memref<8x64xf32, #tpu.memory_space<vmem>> -> memref<1x64xf32, #tpu.memory_space<vmem>>
      %dma_wait3A_464 = tpu.memref_squeeze %dma_wait3A_463 : memref<1x64xf32, #tpu.memory_space<vmem>> -> memref<64xf32, #tpu.memory_space<vmem>>
      %dma_wait3A_465 = tpu.memref_slice %arg2[%run_scoped3A_14, %mul3A_2] : memref<8x2048xf32, #tpu.memory_space<hbm>> -> memref<1x64xf32, #tpu.memory_space<hbm>>
      %dma_wait3A_466 = tpu.memref_squeeze %dma_wait3A_465 : memref<1x64xf32, #tpu.memory_space<hbm>> -> memref<64xf32, #tpu.memory_space<hbm>>
      %dma_wait3A_467 = arith.constant 0 : i32
      %dma_wait3A_468 = tpu.memref_slice %arg5[%run_scoped3A_15, %dma_wait3A_467] : memref<8x64xf32, #tpu.memory_space<vmem>> -> memref<1x64xf32, #tpu.memory_space<vmem>>
      %dma_wait3A_469 = tpu.memref_squeeze %dma_wait3A_468 : memref<1x64xf32, #tpu.memory_space<vmem>> -> memref<64xf32, #tpu.memory_space<vmem>>
      %dma_wait3A_470 = tpu.memref_slice %arg2[%run_scoped3A_14, %mul3A_2] : memref<8x2048xf32, #tpu.memory_space<hbm>> -> memref<1x64xf32, #tpu.memory_space<hbm>>
      %dma_wait3A_471 = tpu.memref_squeeze %dma_wait3A_470 : memref<1x64xf32, #tpu.memory_space<hbm>> -> memref<64xf32, #tpu.memory_space<hbm>>
      tpu.wait_dma2 semaphore(%run_scoped3A_453 : memref<!tpu.dma_semaphore, #tpu.memory_space<semaphore_mem>>) src(%dma_wait3A_471 : memref<64xf32, #tpu.memory_space<hbm>>) dst(%dma_wait3A_469 : memref<64xf32, #tpu.memory_space<vmem>>)
      tpu.yield
    }) : () -> ()
    %run_scoped3A_16 = arith.constant 7 : i32
    %run_scoped3A_17 = arith.constant 7 : i32
    "tpu.region"() ({
      %run_scoped3A_453 = tpu.sem_alloc : memref<!tpu.dma_semaphore, #tpu.memory_space<semaphore_mem>>
      %dma_start3A = arith.constant 0 : i32
      %dma_start3A_454 = tpu.memref_slice %arg5[%run_scoped3A_17, %dma_start3A] : memref<8x64xf32, #tpu.memory_space<vmem>> -> memref<1x64xf32, #tpu.memory_space<vmem>>
      %dma_start3A_455 = tpu.memref_squeeze %dma_start3A_454 : memref<1x64xf32, #tpu.memory_space<vmem>> -> memref<64xf32, #tpu.memory_space<vmem>>
      %dma_start3A_456 = tpu.memref_slice %arg2[%run_scoped3A_16, %mul3A_2] : memref<8x2048xf32, #tpu.memory_space<hbm>> -> memref<1x64xf32, #tpu.memory_space<hbm>>
      %dma_start3A_457 = tpu.memref_squeeze %dma_start3A_456 : memref<1x64xf32, #tpu.memory_space<hbm>> -> memref<64xf32, #tpu.memory_space<hbm>>
      %dma_start3A_458 = arith.constant 0 : i32
      %dma_start3A_459 = tpu.memref_slice %arg5[%run_scoped3A_17, %dma_start3A_458] : memref<8x64xf32, #tpu.memory_space<vmem>> -> memref<1x64xf32, #tpu.memory_space<vmem>>
      %dma_start3A_460 = tpu.memref_squeeze %dma_start3A_459 : memref<1x64xf32, #tpu.memory_space<vmem>> -> memref<64xf32, #tpu.memory_space<vmem>>
      %dma_start3A_461 = tpu.memref_slice %arg2[%run_scoped3A_16, %mul3A_2] : memref<8x2048xf32, #tpu.memory_space<hbm>> -> memref<1x64xf32, #tpu.memory_space<hbm>>
      %dma_start3A_462 = tpu.memref_squeeze %dma_start3A_461 : memref<1x64xf32, #tpu.memory_space<hbm>> -> memref<64xf32, #tpu.memory_space<hbm>>
      tpu.enqueue_dma source(%dma_start3A_462 : memref<64xf32, #tpu.memory_space<hbm>>) target(%dma_start3A_460 : memref<64xf32, #tpu.memory_space<vmem>>) target_semaphore(%run_scoped3A_453 : memref<!tpu.dma_semaphore, #tpu.memory_space<semaphore_mem>>)
      %dma_wait3A = arith.constant 0 : i32
      %dma_wait3A_463 = tpu.memref_slice %arg5[%run_scoped3A_17, %dma_wait3A] : memref<8x64xf32, #tpu.memory_space<vmem>> -> memref<1x64xf32, #tpu.memory_space<vmem>>
      %dma_wait3A_464 = tpu.memref_squeeze %dma_wait3A_463 : memref<1x64xf32, #tpu.memory_space<vmem>> -> memref<64xf32, #tpu.memory_space<vmem>>
      %dma_wait3A_465 = tpu.memref_slice %arg2[%run_scoped3A_16, %mul3A_2] : memref<8x2048xf32, #tpu.memory_space<hbm>> -> memref<1x64xf32, #tpu.memory_space<hbm>>
      %dma_wait3A_466 = tpu.memref_squeeze %dma_wait3A_465 : memref<1x64xf32, #tpu.memory_space<hbm>> -> memref<64xf32, #tpu.memory_space<hbm>>
      %dma_wait3A_467 = arith.constant 0 : i32
      %dma_wait3A_468 = tpu.memref_slice %arg5[%run_scoped3A_17, %dma_wait3A_467] : memref<8x64xf32, #tpu.memory_space<vmem>> -> memref<1x64xf32, #tpu.memory_space<vmem>>
      %dma_wait3A_469 = tpu.memref_squeeze %dma_wait3A_468 : memref<1x64xf32, #tpu.memory_space<vmem>> -> memref<64xf32, #tpu.memory_space<vmem>>
      %dma_wait3A_470 = tpu.memref_slice %arg2[%run_scoped3A_16, %mul3A_2] : memref<8x2048xf32, #tpu.memory_space<hbm>> -> memref<1x64xf32, #tpu.memory_space<hbm>>
      %dma_wait3A_471 = tpu.memref_squeeze %dma_wait3A_470 : memref<1x64xf32, #tpu.memory_space<hbm>> -> memref<64xf32, #tpu.memory_space<hbm>>
      tpu.wait_dma2 semaphore(%run_scoped3A_453 : memref<!tpu.dma_semaphore, #tpu.memory_space<semaphore_mem>>) src(%dma_wait3A_471 : memref<64xf32, #tpu.memory_space<hbm>>) dst(%dma_wait3A_469 : memref<64xf32, #tpu.memory_space<vmem>>)
      tpu.yield
    }) : () -> ()
    %get3A = arith.constant 0 : i32
    %get3A_18 = arith.index_cast %get3A : i32 to index
    %get3A_19 = arith.constant 0 : index
    %get3A_20 = tpu.vector_load %arg5[%get3A_18, %get3A_19] {strides = array<i32>} : memref<8x64xf32, #tpu.memory_space<vmem>>, vector<1x16xf32>,
    %get3A_21 = vector.shape_cast %get3A_20 : vector<1x16xf32> to vector<16xf32>
    %get3A_22 = arith.constant 1 : i32
    %get3A_23 = arith.index_cast %get3A_22 : i32 to index
    %get3A_24 = arith.constant 0 : index
    %get3A_25 = tpu.vector_load %arg5[%get3A_23, %get3A_24] {strides = array<i32>} : memref<8x64xf32, #tpu.memory_space<vmem>>, vector<1x16xf32>,
    %get3A_26 = vector.shape_cast %get3A_25 : vector<1x16xf32> to vector<16xf32>
    %get3A_27 = arith.constant 2 : i32
    %get3A_28 = arith.index_cast %get3A_27 : i32 to index
    %get3A_29 = arith.constant 0 : index
    %get3A_30 = tpu.vector_load %arg5[%get3A_28, %get3A_29] {strides = array<i32>} : memref<8x64xf32, #tpu.memory_space<vmem>>, vector<1x16xf32>,
    %get3A_31 = vector.shape_cast %get3A_30 : vector<1x16xf32> to vector<16xf32>
    %get3A_32 = arith.constant 3 : i32
    %get3A_33 = arith.index_cast %get3A_32 : i32 to index
    %get3A_34 = arith.constant 0 : index
    %get3A_35 = tpu.vector_load %arg5[%get3A_33, %get3A_34] {strides = array<i32>} : memref<8x64xf32, #tpu.memory_space<vmem>>, vector<1x16xf32>,
    %get3A_36 = vector.shape_cast %get3A_35 : vector<1x16xf32> to vector<16xf32>
    %get3A_37 = arith.constant 4 : i32
    %get3A_38 = arith.index_cast %get3A_37 : i32 to index
    %get3A_39 = arith.constant 0 : index
    %get3A_40 = tpu.vector_load %arg5[%get3A_38, %get3A_39] {strides = array<i32>} : memref<8x64xf32, #tpu.memory_space<vmem>>, vector<1x16xf32>,
    %get3A_41 = vector.shape_cast %get3A_40 : vector<1x16xf32> to vector<16xf32>
    %get3A_42 = arith.constant 5 : i32
    %get3A_43 = arith.index_cast %get3A_42 : i32 to index
    %get3A_44 = arith.constant 0 : index
    %get3A_45 = tpu.vector_load %arg5[%get3A_43, %get3A_44] {strides = array<i32>} : memref<8x64xf32, #tpu.memory_space<vmem>>, vector<1x16xf32>,
    %get3A_46 = vector.shape_cast %get3A_45 : vector<1x16xf32> to vector<16xf32>
    %get3A_47 = arith.constant 6 : i32
    %get3A_48 = arith.index_cast %get3A_47 : i32 to index
    %get3A_49 = arith.constant 0 : index
    %get3A_50 = tpu.vector_load %arg5[%get3A_48, %get3A_49] {strides = array<i32>} : memref<8x64xf32, #tpu.memory_space<vmem>>, vector<1x16xf32>,
    %get3A_51 = vector.shape_cast %get3A_50 : vector<1x16xf32> to vector<16xf32>
    %get3A_52 = arith.constant 7 : i32
    %get3A_53 = arith.index_cast %get3A_52 : i32 to index
    %get3A_54 = arith.constant 0 : index
    %get3A_55 = tpu.vector_load %arg5[%get3A_53, %get3A_54] {strides = array<i32>} : memref<8x64xf32, #tpu.memory_space<vmem>>, vector<1x16xf32>,
    %get3A_56 = vector.shape_cast %get3A_55 : vector<1x16xf32> to vector<16xf32>
    %max3A = arith.maximumf %get3A_21, %get3A_26 : vector<16xf32>
    %max3A_57 = arith.maximumf %max3A, %get3A_31 : vector<16xf32>
    %max3A_58 = arith.maximumf %max3A_57, %get3A_36 : vector<16xf32>
    %max3A_59 = arith.maximumf %max3A_58, %get3A_41 : vector<16xf32>
    %max3A_60 = arith.maximumf %max3A_59, %get3A_46 : vector<16xf32>
    %max3A_61 = arith.maximumf %max3A_60, %get3A_51 : vector<16xf32>
    %max3A_62 = arith.maximumf %max3A_61, %get3A_56 : vector<16xf32>
    %sub3A = arith.subf %get3A_21, %max3A_62 : vector<16xf32>
    %exp3A = math.exp %sub3A : vector<16xf32>
    %sub3A_63 = arith.subf %get3A_26, %max3A_62 : vector<16xf32>
    %exp3A_64 = math.exp %sub3A_63 : vector<16xf32>
    %add3A_65 = arith.addf %exp3A, %exp3A_64 : vector<16xf32>
    %sub3A_66 = arith.subf %get3A_31, %max3A_62 : vector<16xf32>
    %exp3A_67 = math.exp %sub3A_66 : vector<16xf32>
    %add3A_68 = arith.addf %add3A_65, %exp3A_67 : vector<16xf32>
    %sub3A_69 = arith.subf %get3A_36, %max3A_62 : vector<16xf32>
    %exp3A_70 = math.exp %sub3A_69 : vector<16xf32>
    %add3A_71 = arith.addf %add3A_68, %exp3A_70 : vector<16xf32>
    %sub3A_72 = arith.subf %get3A_41, %max3A_62 : vector<16xf32>
    %exp3A_73 = math.exp %sub3A_72 : vector<16xf32>
    %add3A_74 = arith.addf %add3A_71, %exp3A_73 : vector<16xf32>
    %sub3A_75 = arith.subf %get3A_46, %max3A_62 : vector<16xf32>
    %exp3A_76 = math.exp %sub3A_75 : vector<16xf32>
    %add3A_77 = arith.addf %add3A_74, %exp3A_76 : vector<16xf32>
    %sub3A_78 = arith.subf %get3A_51, %max3A_62 : vector<16xf32>
    %exp3A_79 = math.exp %sub3A_78 : vector<16xf32>
    %add3A_80 = arith.addf %add3A_77, %exp3A_79 : vector<16xf32>
    %sub3A_81 = arith.subf %get3A_56, %max3A_62 : vector<16xf32>
    %exp3A_82 = math.exp %sub3A_81 : vector<16xf32>
    %add3A_83 = arith.addf %add3A_80, %exp3A_82 : vector<16xf32>
    %div3A = arith.constant 2.000000e+00 : f32
    %div3A_84 = vector.broadcast %div3A : f32 to vector<16xf32>
    %div3A_85 = arith.divf %div3A_84, %add3A_83 : vector<16xf32>
    %swap3A = arith.constant 0 : index
    %swap3A_86 = tpu.vector_load %arg6[%swap3A] {strides = array<i32>} : memref<64xf32, #tpu.memory_space<vmem>>, vector<16xf32>,
    %swap3A_87 = vector.shape_cast %swap3A_86 : vector<16xf32> to vector<16xf32>
    %swap3A_88 = vector.shape_cast %div3A_85 : vector<16xf32> to vector<16xf32>
    tpu.vector_store %arg6[%swap3A], %swap3A_88 {strides = array<i32>} : memref<64xf32, #tpu.memory_space<vmem>>, vector<16xf32>,
    %broadcast_in_dim3A = arith.constant 7 : i32
    %broadcast_in_dim3A_89 = vector.broadcast %broadcast_in_dim3A : i32 to vector<16xi32>
    %eq3A = arith.cmpf oeq, %get3A_51, %max3A_62 : vector<16xf32>
    %broadcast_in_dim3A_90 = arith.constant 6 : i32
    %broadcast_in_dim3A_91 = vector.broadcast %broadcast_in_dim3A_90 : i32 to vector<16xi32>
    %select_n3A = arith.select %eq3A, %broadcast_in_dim3A_91, %broadcast_in_dim3A_89 : vector<16xi1>, vector<16xi32>
    %eq3A_92 = arith.cmpf oeq, %get3A_46, %max3A_62 : vector<16xf32>
    %broadcast_in_dim3A_93 = arith.constant 5 : i32
    %broadcast_in_dim3A_94 = vector.broadcast %broadcast_in_dim3A_93 : i32 to vector<16xi32>
    %select_n3A_95 = arith.select %eq3A_92, %broadcast_in_dim3A_94, %select_n3A : vector<16xi1>, vector<16xi32>
    %eq3A_96 = arith.cmpf oeq, %get3A_41, %max3A_62 : vector<16xf32>
    %broadcast_in_dim3A_97 = arith.constant 4 : i32
    %broadcast_in_dim3A_98 = vector.broadcast %broadcast_in_dim3A_97 : i32 to vector<16xi32>
    %select_n3A_99 = arith.select %eq3A_96, %broadcast_in_dim3A_98, %select_n3A_95 : vector<16xi1>, vector<16xi32>
    %eq3A_100 = arith.cmpf oeq, %get3A_36, %max3A_62 : vector<16xf32>
    %broadcast_in_dim3A_101 = arith.constant 3 : i32
    %broadcast_in_dim3A_102 = vector.broadcast %broadcast_in_dim3A_101 : i32 to vector<16xi32>
    %select_n3A_103 = arith.select %eq3A_100, %broadcast_in_dim3A_102, %select_n3A_99 : vector<16xi1>, vector<16xi32>
    %eq3A_104 = arith.cmpf oeq, %get3A_31, %max3A_62 : vector<16xf32>
    %broadcast_in_dim3A_105 = arith.constant 2 : i32
    %broadcast_in_dim3A_106 = vector.broadcast %broadcast_in_dim3A_105 : i32 to vector<16xi32>
    %select_n3A_107 = arith.select %eq3A_104, %broadcast_in_dim3A_106, %select_n3A_103 : vector<16xi1>, vector<16xi32>
    %eq3A_108 = arith.cmpf oeq, %get3A_26, %max3A_62 : vector<16xf32>
    %broadcast_in_dim3A_109 = arith.constant 1 : i32
    %broadcast_in_dim3A_110 = vector.broadcast %broadcast_in_dim3A_109 : i32 to vector<16xi32>
    %select_n3A_111 = arith.select %eq3A_108, %broadcast_in_dim3A_110, %select_n3A_107 : vector<16xi1>, vector<16xi32>
    %eq3A_112 = arith.cmpf oeq, %get3A_21, %max3A_62 : vector<16xf32>
    %broadcast_in_dim3A_113 = arith.constant 0 : i32
    %broadcast_in_dim3A_114 = vector.broadcast %broadcast_in_dim3A_113 : i32 to vector<16xi32>
    %select_n3A_115 = arith.select %eq3A_112, %broadcast_in_dim3A_114, %select_n3A_111 : vector<16xi1>, vector<16xi32>
    %swap3A_116 = arith.constant 0 : index
    %swap3A_117 = tpu.vector_load %arg7[%swap3A_116] {strides = array<i32>} : memref<64xi32, #tpu.memory_space<vmem>>, vector<16xi32>,
    %swap3A_118 = vector.shape_cast %swap3A_117 : vector<16xi32> to vector<16xi32>
    %swap3A_119 = vector.shape_cast %select_n3A_115 : vector<16xi32> to vector<16xi32>
    tpu.vector_store %arg7[%swap3A_116], %swap3A_119 {strides = array<i32>} : memref<64xi32, #tpu.memory_space<vmem>>, vector<16xi32>,
    %get3A_120 = arith.constant 0 : i32
    %get3A_121 = arith.index_cast %get3A_120 : i32 to index
    %get3A_122 = arith.constant 16 : index
    %get3A_123 = tpu.vector_load %arg5[%get3A_121, %get3A_122] {strides = array<i32>} : memref<8x64xf32, #tpu.memory_space<vmem>>, vector<1x16xf32>,
    %get3A_124 = vector.shape_cast %get3A_123 : vector<1x16xf32> to vector<16xf32>
    %get3A_125 = arith.constant 1 : i32
    %get3A_126 = arith.index_cast %get3A_125 : i32 to index
    %get3A_127 = arith.constant 16 : index
    %get3A_128 = tpu.vector_load %arg5[%get3A_126, %get3A_127] {strides = array<i32>} : memref<8x64xf32, #tpu.memory_space<vmem>>, vector<1x16xf32>,
    %get3A_129 = vector.shape_cast %get3A_128 : vector<1x16xf32> to vector<16xf32>
    %get3A_130 = arith.constant 2 : i32
    %get3A_131 = arith.index_cast %get3A_130 : i32 to index
    %get3A_132 = arith.constant 16 : index
    %get3A_133 = tpu.vector_load %arg5[%get3A_131, %get3A_132] {strides = array<i32>} : memref<8x64xf32, #tpu.memory_space<vmem>>, vector<1x16xf32>,
    %get3A_134 = vector.shape_cast %get3A_133 : vector<1x16xf32> to vector<16xf32>
    %get3A_135 = arith.constant 3 : i32
    %get3A_136 = arith.index_cast %get3A_135 : i32 to index
    %get3A_137 = arith.constant 16 : index
    %get3A_138 = tpu.vector_load %arg5[%get3A_136, %get3A_137] {strides = array<i32>} : memref<8x64xf32, #tpu.memory_space<vmem>>, vector<1x16xf32>,
    %get3A_139 = vector.shape_cast %get3A_138 : vector<1x16xf32> to vector<16xf32>
    %get3A_140 = arith.constant 4 : i32
    %get3A_141 = arith.index_cast %get3A_140 : i32 to index
    %get3A_142 = arith.constant 16 : index
    %get3A_143 = tpu.vector_load %arg5[%get3A_141, %get3A_142] {strides = array<i32>} : memref<8x64xf32, #tpu.memory_space<vmem>>, vector<1x16xf32>,
    %get3A_144 = vector.shape_cast %get3A_143 : vector<1x16xf32> to vector<16xf32>
    %get3A_145 = arith.constant 5 : i32
    %get3A_146 = arith.index_cast %get3A_145 : i32 to index
    %get3A_147 = arith.constant 16 : index
    %get3A_148 = tpu.vector_load %arg5[%get3A_146, %get3A_147] {strides = array<i32>} : memref<8x64xf32, #tpu.memory_space<vmem>>, vector<1x16xf32>,
    %get3A_149 = vector.shape_cast %get3A_148 : vector<1x16xf32> to vector<16xf32>
    %get3A_150 = arith.constant 6 : i32
    %get3A_151 = arith.index_cast %get3A_150 : i32 to index
    %get3A_152 = arith.constant 16 : index
    %get3A_153 = tpu.vector_load %arg5[%get3A_151, %get3A_152] {strides = array<i32>} : memref<8x64xf32, #tpu.memory_space<vmem>>, vector<1x16xf32>,
    %get3A_154 = vector.shape_cast %get3A_153 : vector<1x16xf32> to vector<16xf32>
    %get3A_155 = arith.constant 7 : i32
    %get3A_156 = arith.index_cast %get3A_155 : i32 to index
    %get3A_157 = arith.constant 16 : index
    %get3A_158 = tpu.vector_load %arg5[%get3A_156, %get3A_157] {strides = array<i32>} : memref<8x64xf32, #tpu.memory_space<vmem>>, vector<1x16xf32>,
    %get3A_159 = vector.shape_cast %get3A_158 : vector<1x16xf32> to vector<16xf32>
    %max3A_160 = arith.maximumf %get3A_124, %get3A_129 : vector<16xf32>
    %max3A_161 = arith.maximumf %max3A_160, %get3A_134 : vector<16xf32>
    %max3A_162 = arith.maximumf %max3A_161, %get3A_139 : vector<16xf32>
    %max3A_163 = arith.maximumf %max3A_162, %get3A_144 : vector<16xf32>
    %max3A_164 = arith.maximumf %max3A_163, %get3A_149 : vector<16xf32>
    %max3A_165 = arith.maximumf %max3A_164, %get3A_154 : vector<16xf32>
    %max3A_166 = arith.maximumf %max3A_165, %get3A_159 : vector<16xf32>
    %sub3A_167 = arith.subf %get3A_124, %max3A_166 : vector<16xf32>
    %exp3A_168 = math.exp %sub3A_167 : vector<16xf32>
    %sub3A_169 = arith.subf %get3A_129, %max3A_166 : vector<16xf32>
    %exp3A_170 = math.exp %sub3A_169 : vector<16xf32>
    %add3A_171 = arith.addf %exp3A_168, %exp3A_170 : vector<16xf32>
    %sub3A_172 = arith.subf %get3A_134, %max3A_166 : vector<16xf32>
    %exp3A_173 = math.exp %sub3A_172 : vector<16xf32>
    %add3A_174 = arith.addf %add3A_171, %exp3A_173 : vector<16xf32>
    %sub3A_175 = arith.subf %get3A_139, %max3A_166 : vector<16xf32>
    %exp3A_176 = math.exp %sub3A_175 : vector<16xf32>
    %add3A_177 = arith.addf %add3A_174, %exp3A_176 : vector<16xf32>
    %sub3A_178 = arith.subf %get3A_144, %max3A_166 : vector<16xf32>
    %exp3A_179 = math.exp %sub3A_178 : vector<16xf32>
    %add3A_180 = arith.addf %add3A_177, %exp3A_179 : vector<16xf32>
    %sub3A_181 = arith.subf %get3A_149, %max3A_166 : vector<16xf32>
    %exp3A_182 = math.exp %sub3A_181 : vector<16xf32>
    %add3A_183 = arith.addf %add3A_180, %exp3A_182 : vector<16xf32>
    %sub3A_184 = arith.subf %get3A_154, %max3A_166 : vector<16xf32>
    %exp3A_185 = math.exp %sub3A_184 : vector<16xf32>
    %add3A_186 = arith.addf %add3A_183, %exp3A_185 : vector<16xf32>
    %sub3A_187 = arith.subf %get3A_159, %max3A_166 : vector<16xf32>
    %exp3A_188 = math.exp %sub3A_187 : vector<16xf32>
    %add3A_189 = arith.addf %add3A_186, %exp3A_188 : vector<16xf32>
    %div3A_190 = arith.constant 2.000000e+00 : f32
    %div3A_191 = vector.broadcast %div3A_190 : f32 to vector<16xf32>
    %div3A_192 = arith.divf %div3A_191, %add3A_189 : vector<16xf32>
    %swap3A_193 = arith.constant 16 : index
    %swap3A_194 = tpu.vector_load %arg6[%swap3A_193] {strides = array<i32>} : memref<64xf32, #tpu.memory_space<vmem>>, vector<16xf32>,
    %swap3A_195 = vector.shape_cast %swap3A_194 : vector<16xf32> to vector<16xf32>
    %swap3A_196 = vector.shape_cast %div3A_192 : vector<16xf32> to vector<16xf32>
    tpu.vector_store %arg6[%swap3A_193], %swap3A_196 {strides = array<i32>} : memref<64xf32, #tpu.memory_space<vmem>>, vector<16xf32>,
    %broadcast_in_dim3A_197 = arith.constant 7 : i32
    %broadcast_in_dim3A_198 = vector.broadcast %broadcast_in_dim3A_197 : i32 to vector<16xi32>
    %eq3A_199 = arith.cmpf oeq, %get3A_154, %max3A_166 : vector<16xf32>
    %broadcast_in_dim3A_200 = arith.constant 6 : i32
    %broadcast_in_dim3A_201 = vector.broadcast %broadcast_in_dim3A_200 : i32 to vector<16xi32>
    %select_n3A_202 = arith.select %eq3A_199, %broadcast_in_dim3A_201, %broadcast_in_dim3A_198 : vector<16xi1>, vector<16xi32>
    %eq3A_203 = arith.cmpf oeq, %get3A_149, %max3A_166 : vector<16xf32>
    %broadcast_in_dim3A_204 = arith.constant 5 : i32
    %broadcast_in_dim3A_205 = vector.broadcast %broadcast_in_dim3A_204 : i32 to vector<16xi32>
    %select_n3A_206 = arith.select %eq3A_203, %broadcast_in_dim3A_205, %select_n3A_202 : vector<16xi1>, vector<16xi32>
    %eq3A_207 = arith.cmpf oeq, %get3A_144, %max3A_166 : vector<16xf32>
    %broadcast_in_dim3A_208 = arith.constant 4 : i32
    %broadcast_in_dim3A_209 = vector.broadcast %broadcast_in_dim3A_208 : i32 to vector<16xi32>
    %select_n3A_210 = arith.select %eq3A_207, %broadcast_in_dim3A_209, %select_n3A_206 : vector<16xi1>, vector<16xi32>
    %eq3A_211 = arith.cmpf oeq, %get3A_139, %max3A_166 : vector<16xf32>
    %broadcast_in_dim3A_212 = arith.constant 3 : i32
    %broadcast_in_dim3A_213 = vector.broadcast %broadcast_in_dim3A_212 : i32 to vector<16xi32>
    %select_n3A_214 = arith.select %eq3A_211, %broadcast_in_dim3A_213, %select_n3A_210 : vector<16xi1>, vector<16xi32>
    %eq3A_215 = arith.cmpf oeq, %get3A_134, %max3A_166 : vector<16xf32>
    %broadcast_in_dim3A_216 = arith.constant 2 : i32
    %broadcast_in_dim3A_217 = vector.broadcast %broadcast_in_dim3A_216 : i32 to vector<16xi32>
    %select_n3A_218 = arith.select %eq3A_215, %broadcast_in_dim3A_217, %select_n3A_214 : vector<16xi1>, vector<16xi32>
    %eq3A_219 = arith.cmpf oeq, %get3A_129, %max3A_166 : vector<16xf32>
    %broadcast_in_dim3A_220 = arith.constant 1 : i32
    %broadcast_in_dim3A_221 = vector.broadcast %broadcast_in_dim3A_220 : i32 to vector<16xi32>
    %select_n3A_222 = arith.select %eq3A_219, %broadcast_in_dim3A_221, %select_n3A_218 : vector<16xi1>, vector<16xi32>
    %eq3A_223 = arith.cmpf oeq, %get3A_124, %max3A_166 : vector<16xf32>
    %broadcast_in_dim3A_224 = arith.constant 0 : i32
    %broadcast_in_dim3A_225 = vector.broadcast %broadcast_in_dim3A_224 : i32 to vector<16xi32>
    %select_n3A_226 = arith.select %eq3A_223, %broadcast_in_dim3A_225, %select_n3A_222 : vector<16xi1>, vector<16xi32>
    %swap3A_227 = arith.constant 16 : index
    %swap3A_228 = tpu.vector_load %arg7[%swap3A_227] {strides = array<i32>} : memref<64xi32, #tpu.memory_space<vmem>>, vector<16xi32>,
    %swap3A_229 = vector.shape_cast %swap3A_228 : vector<16xi32> to vector<16xi32>
    %swap3A_230 = vector.shape_cast %select_n3A_226 : vector<16xi32> to vector<16xi32>
    tpu.vector_store %arg7[%swap3A_227], %swap3A_230 {strides = array<i32>} : memref<64xi32, #tpu.memory_space<vmem>>, vector<16xi32>,
    %get3A_231 = arith.constant 0 : i32
    %get3A_232 = arith.index_cast %get3A_231 : i32 to index
    %get3A_233 = arith.constant 32 : index
    %get3A_234 = tpu.vector_load %arg5[%get3A_232, %get3A_233] {strides = array<i32>} : memref<8x64xf32, #tpu.memory_space<vmem>>, vector<1x16xf32>,
    %get3A_235 = vector.shape_cast %get3A_234 : vector<1x16xf32> to vector<16xf32>
    %get3A_236 = arith.constant 1 : i32
    %get3A_237 = arith.index_cast %get3A_236 : i32 to index
    %get3A_238 = arith.constant 32 : index
    %get3A_239 = tpu.vector_load %arg5[%get3A_237, %get3A_238] {strides = array<i32>} : memref<8x64xf32, #tpu.memory_space<vmem>>, vector<1x16xf32>,
    %get3A_240 = vector.shape_cast %get3A_239 : vector<1x16xf32> to vector<16xf32>
    %get3A_241 = arith.constant 2 : i32
    %get3A_242 = arith.index_cast %get3A_241 : i32 to index
    %get3A_243 = arith.constant 32 : index
    %get3A_244 = tpu.vector_load %arg5[%get3A_242, %get3A_243] {strides = array<i32>} : memref<8x64xf32, #tpu.memory_space<vmem>>, vector<1x16xf32>,
    %get3A_245 = vector.shape_cast %get3A_244 : vector<1x16xf32> to vector<16xf32>
    %get3A_246 = arith.constant 3 : i32
    %get3A_247 = arith.index_cast %get3A_246 : i32 to index
    %get3A_248 = arith.constant 32 : index
    %get3A_249 = tpu.vector_load %arg5[%get3A_247, %get3A_248] {strides = array<i32>} : memref<8x64xf32, #tpu.memory_space<vmem>>, vector<1x16xf32>,
    %get3A_250 = vector.shape_cast %get3A_249 : vector<1x16xf32> to vector<16xf32>
    %get3A_251 = arith.constant 4 : i32
    %get3A_252 = arith.index_cast %get3A_251 : i32 to index
    %get3A_253 = arith.constant 32 : index
    %get3A_254 = tpu.vector_load %arg5[%get3A_252, %get3A_253] {strides = array<i32>} : memref<8x64xf32, #tpu.memory_space<vmem>>, vector<1x16xf32>,
    %get3A_255 = vector.shape_cast %get3A_254 : vector<1x16xf32> to vector<16xf32>
    %get3A_256 = arith.constant 5 : i32
    %get3A_257 = arith.index_cast %get3A_256 : i32 to index
    %get3A_258 = arith.constant 32 : index
    %get3A_259 = tpu.vector_load %arg5[%get3A_257, %get3A_258] {strides = array<i32>} : memref<8x64xf32, #tpu.memory_space<vmem>>, vector<1x16xf32>,
    %get3A_260 = vector.shape_cast %get3A_259 : vector<1x16xf32> to vector<16xf32>
    %get3A_261 = arith.constant 6 : i32
    %get3A_262 = arith.index_cast %get3A_261 : i32 to index
    %get3A_263 = arith.constant 32 : index
    %get3A_264 = tpu.vector_load %arg5[%get3A_262, %get3A_263] {strides = array<i32>} : memref<8x64xf32, #tpu.memory_space<vmem>>, vector<1x16xf32>,
    %get3A_265 = vector.shape_cast %get3A_264 : vector<1x16xf32> to vector<16xf32>
    %get3A_266 = arith.constant 7 : i32
    %get3A_267 = arith.index_cast %get3A_266 : i32 to index
    %get3A_268 = arith.constant 32 : index
    %get3A_269 = tpu.vector_load %arg5[%get3A_267, %get3A_268] {strides = array<i32>} : memref<8x64xf32, #tpu.memory_space<vmem>>, vector<1x16xf32>,
    %get3A_270 = vector.shape_cast %get3A_269 : vector<1x16xf32> to vector<16xf32>
    %max3A_271 = arith.maximumf %get3A_235, %get3A_240 : vector<16xf32>
    %max3A_272 = arith.maximumf %max3A_271, %get3A_245 : vector<16xf32>
    %max3A_273 = arith.maximumf %max3A_272, %get3A_250 : vector<16xf32>
    %max3A_274 = arith.maximumf %max3A_273, %get3A_255 : vector<16xf32>
    %max3A_275 = arith.maximumf %max3A_274, %get3A_260 : vector<16xf32>
    %max3A_276 = arith.maximumf %max3A_275, %get3A_265 : vector<16xf32>
    %max3A_277 = arith.maximumf %max3A_276, %get3A_270 : vector<16xf32>
    %sub3A_278 = arith.subf %get3A_235, %max3A_277 : vector<16xf32>
    %exp3A_279 = math.exp %sub3A_278 : vector<16xf32>
    %sub3A_280 = arith.subf %get3A_240, %max3A_277 : vector<16xf32>
    %exp3A_281 = math.exp %sub3A_280 : vector<16xf32>
    %add3A_282 = arith.addf %exp3A_279, %exp3A_281 : vector<16xf32>
    %sub3A_283 = arith.subf %get3A_245, %max3A_277 : vector<16xf32>
    %exp3A_284 = math.exp %sub3A_283 : vector<16xf32>
    %add3A_285 = arith.addf %add3A_282, %exp3A_284 : vector<16xf32>
    %sub3A_286 = arith.subf %get3A_250, %max3A_277 : vector<16xf32>
    %exp3A_287 = math.exp %sub3A_286 : vector<16xf32>
    %add3A_288 = arith.addf %add3A_285, %exp3A_287 : vector<16xf32>
    %sub3A_289 = arith.subf %get3A_255, %max3A_277 : vector<16xf32>
    %exp3A_290 = math.exp %sub3A_289 : vector<16xf32>
    %add3A_291 = arith.addf %add3A_288, %exp3A_290 : vector<16xf32>
    %sub3A_292 = arith.subf %get3A_260, %max3A_277 : vector<16xf32>
    %exp3A_293 = math.exp %sub3A_292 : vector<16xf32>
    %add3A_294 = arith.addf %add3A_291, %exp3A_293 : vector<16xf32>
    %sub3A_295 = arith.subf %get3A_265, %max3A_277 : vector<16xf32>
    %exp3A_296 = math.exp %sub3A_295 : vector<16xf32>
    %add3A_297 = arith.addf %add3A_294, %exp3A_296 : vector<16xf32>
    %sub3A_298 = arith.subf %get3A_270, %max3A_277 : vector<16xf32>
    %exp3A_299 = math.exp %sub3A_298 : vector<16xf32>
    %add3A_300 = arith.addf %add3A_297, %exp3A_299 : vector<16xf32>
    %div3A_301 = arith.constant 2.000000e+00 : f32
    %div3A_302 = vector.broadcast %div3A_301 : f32 to vector<16xf32>
    %div3A_303 = arith.divf %div3A_302, %add3A_300 : vector<16xf32>
    %swap3A_304 = arith.constant 32 : index
    %swap3A_305 = tpu.vector_load %arg6[%swap3A_304] {strides = array<i32>} : memref<64xf32, #tpu.memory_space<vmem>>, vector<16xf32>,
    %swap3A_306 = vector.shape_cast %swap3A_305 : vector<16xf32> to vector<16xf32>
    %swap3A_307 = vector.shape_cast %div3A_303 : vector<16xf32> to vector<16xf32>
    tpu.vector_store %arg6[%swap3A_304], %swap3A_307 {strides = array<i32>} : memref<64xf32, #tpu.memory_space<vmem>>, vector<16xf32>,
    %broadcast_in_dim3A_308 = arith.constant 7 : i32
    %broadcast_in_dim3A_309 = vector.broadcast %broadcast_in_dim3A_308 : i32 to vector<16xi32>
    %eq3A_310 = arith.cmpf oeq, %get3A_265, %max3A_277 : vector<16xf32>
    %broadcast_in_dim3A_311 = arith.constant 6 : i32
    %broadcast_in_dim3A_312 = vector.broadcast %broadcast_in_dim3A_311 : i32 to vector<16xi32>
    %select_n3A_313 = arith.select %eq3A_310, %broadcast_in_dim3A_312, %broadcast_in_dim3A_309 : vector<16xi1>, vector<16xi32>
    %eq3A_314 = arith.cmpf oeq, %get3A_260, %max3A_277 : vector<16xf32>
    %broadcast_in_dim3A_315 = arith.constant 5 : i32
    %broadcast_in_dim3A_316 = vector.broadcast %broadcast_in_dim3A_315 : i32 to vector<16xi32>
    %select_n3A_317 = arith.select %eq3A_314, %broadcast_in_dim3A_316, %select_n3A_313 : vector<16xi1>, vector<16xi32>
    %eq3A_318 = arith.cmpf oeq, %get3A_255, %max3A_277 : vector<16xf32>
    %broadcast_in_dim3A_319 = arith.constant 4 : i32
    %broadcast_in_dim3A_320 = vector.broadcast %broadcast_in_dim3A_319 : i32 to vector<16xi32>
    %select_n3A_321 = arith.select %eq3A_318, %broadcast_in_dim3A_320, %select_n3A_317 : vector<16xi1>, vector<16xi32>
    %eq3A_322 = arith.cmpf oeq, %get3A_250, %max3A_277 : vector<16xf32>
    %broadcast_in_dim3A_323 = arith.constant 3 : i32
    %broadcast_in_dim3A_324 = vector.broadcast %broadcast_in_dim3A_323 : i32 to vector<16xi32>
    %select_n3A_325 = arith.select %eq3A_322, %broadcast_in_dim3A_324, %select_n3A_321 : vector<16xi1>, vector<16xi32>
    %eq3A_326 = arith.cmpf oeq, %get3A_245, %max3A_277 : vector<16xf32>
    %broadcast_in_dim3A_327 = arith.constant 2 : i32
    %broadcast_in_dim3A_328 = vector.broadcast %broadcast_in_dim3A_327 : i32 to vector<16xi32>
    %select_n3A_329 = arith.select %eq3A_326, %broadcast_in_dim3A_328, %select_n3A_325 : vector<16xi1>, vector<16xi32>
    %eq3A_330 = arith.cmpf oeq, %get3A_240, %max3A_277 : vector<16xf32>
    %broadcast_in_dim3A_331 = arith.constant 1 : i32
    %broadcast_in_dim3A_332 = vector.broadcast %broadcast_in_dim3A_331 : i32 to vector<16xi32>
    %select_n3A_333 = arith.select %eq3A_330, %broadcast_in_dim3A_332, %select_n3A_329 : vector<16xi1>, vector<16xi32>
    %eq3A_334 = arith.cmpf oeq, %get3A_235, %max3A_277 : vector<16xf32>
    %broadcast_in_dim3A_335 = arith.constant 0 : i32
    %broadcast_in_dim3A_336 = vector.broadcast %broadcast_in_dim3A_335 : i32 to vector<16xi32>
    %select_n3A_337 = arith.select %eq3A_334, %broadcast_in_dim3A_336, %select_n3A_333 : vector<16xi1>, vector<16xi32>
    %swap3A_338 = arith.constant 32 : index
    %swap3A_339 = tpu.vector_load %arg7[%swap3A_338] {strides = array<i32>} : memref<64xi32, #tpu.memory_space<vmem>>, vector<16xi32>,
    %swap3A_340 = vector.shape_cast %swap3A_339 : vector<16xi32> to vector<16xi32>
    %swap3A_341 = vector.shape_cast %select_n3A_337 : vector<16xi32> to vector<16xi32>
    tpu.vector_store %arg7[%swap3A_338], %swap3A_341 {strides = array<i32>} : memref<64xi32, #tpu.memory_space<vmem>>, vector<16xi32>,
    %get3A_342 = arith.constant 0 : i32
    %get3A_343 = arith.index_cast %get3A_342 : i32 to index
    %get3A_344 = arith.constant 48 : index
    %get3A_345 = tpu.vector_load %arg5[%get3A_343, %get3A_344] {strides = array<i32>} : memref<8x64xf32, #tpu.memory_space<vmem>>, vector<1x16xf32>,
    %get3A_346 = vector.shape_cast %get3A_345 : vector<1x16xf32> to vector<16xf32>
    %get3A_347 = arith.constant 1 : i32
    %get3A_348 = arith.index_cast %get3A_347 : i32 to index
    %get3A_349 = arith.constant 48 : index
    %get3A_350 = tpu.vector_load %arg5[%get3A_348, %get3A_349] {strides = array<i32>} : memref<8x64xf32, #tpu.memory_space<vmem>>, vector<1x16xf32>,
    %get3A_351 = vector.shape_cast %get3A_350 : vector<1x16xf32> to vector<16xf32>
    %get3A_352 = arith.constant 2 : i32
    %get3A_353 = arith.index_cast %get3A_352 : i32 to index
    %get3A_354 = arith.constant 48 : index
    %get3A_355 = tpu.vector_load %arg5[%get3A_353, %get3A_354] {strides = array<i32>} : memref<8x64xf32, #tpu.memory_space<vmem>>, vector<1x16xf32>,
    %get3A_356 = vector.shape_cast %get3A_355 : vector<1x16xf32> to vector<16xf32>
    %get3A_357 = arith.constant 3 : i32
    %get3A_358 = arith.index_cast %get3A_357 : i32 to index
    %get3A_359 = arith.constant 48 : index
    %get3A_360 = tpu.vector_load %arg5[%get3A_358, %get3A_359] {strides = array<i32>} : memref<8x64xf32, #tpu.memory_space<vmem>>, vector<1x16xf32>,
    %get3A_361 = vector.shape_cast %get3A_360 : vector<1x16xf32> to vector<16xf32>
    %get3A_362 = arith.constant 4 : i32
    %get3A_363 = arith.index_cast %get3A_362 : i32 to index
    %get3A_364 = arith.constant 48 : index
    %get3A_365 = tpu.vector_load %arg5[%get3A_363, %get3A_364] {strides = array<i32>} : memref<8x64xf32, #tpu.memory_space<vmem>>, vector<1x16xf32>,
    %get3A_366 = vector.shape_cast %get3A_365 : vector<1x16xf32> to vector<16xf32>
    %get3A_367 = arith.constant 5 : i32
    %get3A_368 = arith.index_cast %get3A_367 : i32 to index
    %get3A_369 = arith.constant 48 : index
    %get3A_370 = tpu.vector_load %arg5[%get3A_368, %get3A_369] {strides = array<i32>} : memref<8x64xf32, #tpu.memory_space<vmem>>, vector<1x16xf32>,
    %get3A_371 = vector.shape_cast %get3A_370 : vector<1x16xf32> to vector<16xf32>
    %get3A_372 = arith.constant 6 : i32
    %get3A_373 = arith.index_cast %get3A_372 : i32 to index
    %get3A_374 = arith.constant 48 : index
    %get3A_375 = tpu.vector_load %arg5[%get3A_373, %get3A_374] {strides = array<i32>} : memref<8x64xf32, #tpu.memory_space<vmem>>, vector<1x16xf32>,
    %get3A_376 = vector.shape_cast %get3A_375 : vector<1x16xf32> to vector<16xf32>
    %get3A_377 = arith.constant 7 : i32
    %get3A_378 = arith.index_cast %get3A_377 : i32 to index
    %get3A_379 = arith.constant 48 : index
    %get3A_380 = tpu.vector_load %arg5[%get3A_378, %get3A_379] {strides = array<i32>} : memref<8x64xf32, #tpu.memory_space<vmem>>, vector<1x16xf32>,
    %get3A_381 = vector.shape_cast %get3A_380 : vector<1x16xf32> to vector<16xf32>
    %max3A_382 = arith.maximumf %get3A_346, %get3A_351 : vector<16xf32>
    %max3A_383 = arith.maximumf %max3A_382, %get3A_356 : vector<16xf32>
    %max3A_384 = arith.maximumf %max3A_383, %get3A_361 : vector<16xf32>
    %max3A_385 = arith.maximumf %max3A_384, %get3A_366 : vector<16xf32>
    %max3A_386 = arith.maximumf %max3A_385, %get3A_371 : vector<16xf32>
    %max3A_387 = arith.maximumf %max3A_386, %get3A_376 : vector<16xf32>
    %max3A_388 = arith.maximumf %max3A_387, %get3A_381 : vector<16xf32>
    %sub3A_389 = arith.subf %get3A_346, %max3A_388 : vector<16xf32>
    %exp3A_390 = math.exp %sub3A_389 : vector<16xf32>
    %sub3A_391 = arith.subf %get3A_351, %max3A_388 : vector<16xf32>
    %exp3A_392 = math.exp %sub3A_391 : vector<16xf32>
    %add3A_393 = arith.addf %exp3A_390, %exp3A_392 : vector<16xf32>
    %sub3A_394 = arith.subf %get3A_356, %max3A_388 : vector<16xf32>
    %exp3A_395 = math.exp %sub3A_394 : vector<16xf32>
    %add3A_396 = arith.addf %add3A_393, %exp3A_395 : vector<16xf32>
    %sub3A_397 = arith.subf %get3A_361, %max3A_388 : vector<16xf32>
    %exp3A_398 = math.exp %sub3A_397 : vector<16xf32>
    %add3A_399 = arith.addf %add3A_396, %exp3A_398 : vector<16xf32>
    %sub3A_400 = arith.subf %get3A_366, %max3A_388 : vector<16xf32>
    %exp3A_401 = math.exp %sub3A_400 : vector<16xf32>
    %add3A_402 = arith.addf %add3A_399, %exp3A_401 : vector<16xf32>
    %sub3A_403 = arith.subf %get3A_371, %max3A_388 : vector<16xf32>
    %exp3A_404 = math.exp %sub3A_403 : vector<16xf32>
    %add3A_405 = arith.addf %add3A_402, %exp3A_404 : vector<16xf32>
    %sub3A_406 = arith.subf %get3A_376, %max3A_388 : vector<16xf32>
    %exp3A_407 = math.exp %sub3A_406 : vector<16xf32>
    %add3A_408 = arith.addf %add3A_405, %exp3A_407 : vector<16xf32>
    %sub3A_409 = arith.subf %get3A_381, %max3A_388 : vector<16xf32>
    %exp3A_410 = math.exp %sub3A_409 : vector<16xf32>
    %add3A_411 = arith.addf %add3A_408, %exp3A_410 : vector<16xf32>
    %div3A_412 = arith.constant 2.000000e+00 : f32
    %div3A_413 = vector.broadcast %div3A_412 : f32 to vector<16xf32>
    %div3A_414 = arith.divf %div3A_413, %add3A_411 : vector<16xf32>
    %swap3A_415 = arith.constant 48 : index
    %swap3A_416 = tpu.vector_load %arg6[%swap3A_415] {strides = array<i32>} : memref<64xf32, #tpu.memory_space<vmem>>, vector<16xf32>,
    %swap3A_417 = vector.shape_cast %swap3A_416 : vector<16xf32> to vector<16xf32>
    %swap3A_418 = vector.shape_cast %div3A_414 : vector<16xf32> to vector<16xf32>
    tpu.vector_store %arg6[%swap3A_415], %swap3A_418 {strides = array<i32>} : memref<64xf32, #tpu.memory_space<vmem>>, vector<16xf32>,
    %broadcast_in_dim3A_419 = arith.constant 7 : i32
    %broadcast_in_dim3A_420 = vector.broadcast %broadcast_in_dim3A_419 : i32 to vector<16xi32>
    %eq3A_421 = arith.cmpf oeq, %get3A_376, %max3A_388 : vector<16xf32>
    %broadcast_in_dim3A_422 = arith.constant 6 : i32
    %broadcast_in_dim3A_423 = vector.broadcast %broadcast_in_dim3A_422 : i32 to vector<16xi32>
    %select_n3A_424 = arith.select %eq3A_421, %broadcast_in_dim3A_423, %broadcast_in_dim3A_420 : vector<16xi1>, vector<16xi32>
    %eq3A_425 = arith.cmpf oeq, %get3A_371, %max3A_388 : vector<16xf32>
    %broadcast_in_dim3A_426 = arith.constant 5 : i32
    %broadcast_in_dim3A_427 = vector.broadcast %broadcast_in_dim3A_426 : i32 to vector<16xi32>
    %select_n3A_428 = arith.select %eq3A_425, %broadcast_in_dim3A_427, %select_n3A_424 : vector<16xi1>, vector<16xi32>
    %eq3A_429 = arith.cmpf oeq, %get3A_366, %max3A_388 : vector<16xf32>
    %broadcast_in_dim3A_430 = arith.constant 4 : i32
    %broadcast_in_dim3A_431 = vector.broadcast %broadcast_in_dim3A_430 : i32 to vector<16xi32>
    %select_n3A_432 = arith.select %eq3A_429, %broadcast_in_dim3A_431, %select_n3A_428 : vector<16xi1>, vector<16xi32>
    %eq3A_433 = arith.cmpf oeq, %get3A_361, %max3A_388 : vector<16xf32>
    %broadcast_in_dim3A_434 = arith.constant 3 : i32
    %broadcast_in_dim3A_435 = vector.broadcast %broadcast_in_dim3A_434 : i32 to vector<16xi32>
    %select_n3A_436 = arith.select %eq3A_433, %broadcast_in_dim3A_435, %select_n3A_432 : vector<16xi1>, vector<16xi32>
    %eq3A_437 = arith.cmpf oeq, %get3A_356, %max3A_388 : vector<16xf32>
    %broadcast_in_dim3A_438 = arith.constant 2 : i32
    %broadcast_in_dim3A_439 = vector.broadcast %broadcast_in_dim3A_438 : i32 to vector<16xi32>
    %select_n3A_440 = arith.select %eq3A_437, %broadcast_in_dim3A_439, %select_n3A_436 : vector<16xi1>, vector<16xi32>
    %eq3A_441 = arith.cmpf oeq, %get3A_351, %max3A_388 : vector<16xf32>
    %broadcast_in_dim3A_442 = arith.constant 1 : i32
    %broadcast_in_dim3A_443 = vector.broadcast %broadcast_in_dim3A_442 : i32 to vector<16xi32>
    %select_n3A_444 = arith.select %eq3A_441, %broadcast_in_dim3A_443, %select_n3A_440 : vector<16xi1>, vector<16xi32>
    %eq3A_445 = arith.cmpf oeq, %get3A_346, %max3A_388 : vector<16xf32>
    %broadcast_in_dim3A_446 = arith.constant 0 : i32
    %broadcast_in_dim3A_447 = vector.broadcast %broadcast_in_dim3A_446 : i32 to vector<16xi32>
    %select_n3A_448 = arith.select %eq3A_445, %broadcast_in_dim3A_447, %select_n3A_444 : vector<16xi1>, vector<16xi32>
    %swap3A_449 = arith.constant 48 : index
    %swap3A_450 = tpu.vector_load %arg7[%swap3A_449] {strides = array<i32>} : memref<64xi32, #tpu.memory_space<vmem>>, vector<16xi32>,
    %swap3A_451 = vector.shape_cast %swap3A_450 : vector<16xi32> to vector<16xi32>
    %swap3A_452 = vector.shape_cast %select_n3A_448 : vector<16xi32> to vector<16xi32>
    tpu.vector_store %arg7[%swap3A_449], %swap3A_452 {strides = array<i32>} : memref<64xi32, #tpu.memory_space<vmem>>, vector<16xi32>,
    "tpu.region"() ({
      %run_scoped3A_453 = tpu.sem_alloc : memref<!tpu.dma_semaphore, #tpu.memory_space<semaphore_mem>>
      %dma_start3A = tpu.memref_slice %arg3[%mul3A_2] : memref<2048xf32, #tpu.memory_space<hbm>> -> memref<64xf32, #tpu.memory_space<hbm>>
      %dma_start3A_454 = tpu.memref_slice %arg3[%mul3A_2] : memref<2048xf32, #tpu.memory_space<hbm>> -> memref<64xf32, #tpu.memory_space<hbm>>
      tpu.enqueue_dma source(%arg6 : memref<64xf32, #tpu.memory_space<vmem>>) target(%dma_start3A_454 : memref<64xf32, #tpu.memory_space<hbm>>) target_semaphore(%run_scoped3A_453 : memref<!tpu.dma_semaphore, #tpu.memory_space<semaphore_mem>>)
      %dma_wait3A = tpu.memref_slice %arg3[%mul3A_2] : memref<2048xf32, #tpu.memory_space<hbm>> -> memref<64xf32, #tpu.memory_space<hbm>>
      %dma_wait3A_455 = tpu.memref_slice %arg3[%mul3A_2] : memref<2048xf32, #tpu.memory_space<hbm>> -> memref<64xf32, #tpu.memory_space<hbm>>
      tpu.wait_dma2 semaphore(%run_scoped3A_453 : memref<!tpu.dma_semaphore, #tpu.memory_space<semaphore_mem>>) src(%arg6 : memref<64xf32, #tpu.memory_space<vmem>>) dst(%dma_wait3A_455 : memref<64xf32, #tpu.memory_space<hbm>>)
      tpu.yield
    }) : () -> ()
    "tpu.region"() ({
      %run_scoped3A_453 = tpu.sem_alloc : memref<!tpu.dma_semaphore, #tpu.memory_space<semaphore_mem>>
      %dma_start3A = tpu.memref_slice %arg4[%mul3A_2] : memref<2048xi32, #tpu.memory_space<hbm>> -> memref<64xi32, #tpu.memory_space<hbm>>
      %dma_start3A_454 = tpu.memref_slice %arg4[%mul3A_2] : memref<2048xi32, #tpu.memory_space<hbm>> -> memref<64xi32, #tpu.memory_space<hbm>>
      tpu.enqueue_dma source(%arg7 : memref<64xi32, #tpu.memory_space<vmem>>) target(%dma_start3A_454 : memref<64xi32, #tpu.memory_space<hbm>>) target_semaphore(%run_scoped3A_453 : memref<!tpu.dma_semaphore, #tpu.memory_space<semaphore_mem>>)
      %dma_wait3A = tpu.memref_slice %arg4[%mul3A_2] : memref<2048xi32, #tpu.memory_space<hbm>> -> memref<64xi32, #tpu.memory_space<hbm>>
      %dma_wait3A_455 = tpu.memref_slice %arg4[%mul3A_2] : memref<2048xi32, #tpu.memory_space<hbm>> -> memref<64xi32, #tpu.memory_space<hbm>>
      tpu.wait_dma2 semaphore(%run_scoped3A_453 : memref<!tpu.dma_semaphore, #tpu.memory_space<semaphore_mem>>) src(%arg7 : memref<64xi32, #tpu.memory_space<vmem>>) dst(%dma_wait3A_455 : memref<64xi32, #tpu.memory_space<hbm>>)
      tpu.yield
    }) : () -> ()
    return
  }
}

module attributes {stable_mosaic.version = 14 : i64} {
  func.func @_stage1_kernel(%arg0: i32, %arg1: memref<1024x1024xf32, #tpu.memory_space<vmem>>, %arg2: memref<8x1024xf32, #tpu.memory_space<vmem>>, %arg3: memref<1024x128xf32, #tpu.memory_space<vmem>>, %arg4: memref<1024x128xf32, #tpu.memory_space<vmem>>, %arg5: memref<8x1024xf32, #tpu.memory_space<vmem>>, %arg6: memref<1024x128xf32, #tpu.memory_space<vmem>>, %arg7: memref<1024x128xf32, #tpu.memory_space<vmem>>) attributes {dimension_semantics = [#tpu.dimension_semantics<arbitrary>], iteration_bounds = array<i64: 2>, scalar_prefetch = 0 : i64, scratch_operands = 0 : i64, tpu.core_type = #tpu.core_type<tc>, window_params = [{transform_indices = @transform_0, window_bounds = array<i64: 1024, 1024>}, {pipeline_mode = #tpu.pipeline_mode<synchronous>, transform_indices = @transform_1, window_bounds = array<i64: 8, 1024>}, {pipeline_mode = #tpu.pipeline_mode<synchronous>, transform_indices = @transform_2, window_bounds = array<i64: 1024, 128>}, {pipeline_mode = #tpu.pipeline_mode<synchronous>, transform_indices = @transform_3, window_bounds = array<i64: 1024, 128>}, {transform_indices = @transform_4, window_bounds = array<i64: 8, 1024>}, {transform_indices = @transform_5, window_bounds = array<i64: 1024, 128>}, {transform_indices = @transform_6, window_bounds = array<i64: 1024, 128>}]} {
    %get3A = arith.constant 0 : index
    %get3A_0 = arith.constant 0 : index
    %get3A_1 = vector.load %arg1[%get3A, %get3A_0] : memref<1024x1024xf32, #tpu.memory_space<vmem>>, vector<1024x1024xf32>
    %get3A_2 = arith.constant 0 : index
    %get3A_3 = arith.constant 0 : index
    %get3A_4 = vector.load %arg2[%get3A_2, %get3A_3] : memref<8x1024xf32, #tpu.memory_space<vmem>>, vector<8x1024xf32>
    %dot_general3A = arith.constant dense<0.000000e+00> : vector<8x1024xf32>
    %dot_general3A_5 = tpu.matmul %get3A_4, %get3A_1, %dot_general3A {dimension_numbers = #tpu.dot_dimension_numbers<[1], [1], [0], [0], [0, 0, 1, 0], [], []>, transpose_lhs_hint = false} : vector<8x1024xf32>, vector<1024x1024xf32>, vector<8x1024xf32> -> vector<8x1024xf32>
    %swap3A = arith.constant 0 : index
    %swap3A_6 = arith.constant 0 : index
    %swap3A_7 = vector.load %arg5[%swap3A, %swap3A_6] : memref<8x1024xf32, #tpu.memory_space<vmem>>, vector<8x1024xf32>
    tpu.vector_store %arg5[%swap3A, %swap3A_6], %dot_general3A_5 {strides = array<i32>} : memref<8x1024xf32, #tpu.memory_space<vmem>>, vector<8x1024xf32>,
    %get3A_8 = arith.constant 0 : index
    %get3A_9 = arith.constant 0 : index
    %get3A_10 = vector.load %arg3[%get3A_8, %get3A_9] : memref<1024x128xf32, #tpu.memory_space<vmem>>, vector<1024x128xf32>
    %dot_general3A_11 = arith.constant dense<0.000000e+00> : vector<1024x128xf32>
    %dot_general3A_12 = tpu.matmul %get3A_1, %get3A_10, %dot_general3A_11 {dimension_numbers = #tpu.dot_dimension_numbers<[1], [0], [0], [1], [0, 0, 1, 1], [], []>, transpose_lhs_hint = false} : vector<1024x1024xf32>, vector<1024x128xf32>, vector<1024x128xf32> -> vector<1024x128xf32>
    %swap3A_13 = arith.constant 0 : index
    %swap3A_14 = arith.constant 0 : index
    %swap3A_15 = vector.load %arg6[%swap3A_13, %swap3A_14] : memref<1024x128xf32, #tpu.memory_space<vmem>>, vector<1024x128xf32>
    tpu.vector_store %arg6[%swap3A_13, %swap3A_14], %dot_general3A_12 {strides = array<i32>} : memref<1024x128xf32, #tpu.memory_space<vmem>>, vector<1024x128xf32>,
    %get3A_16 = arith.constant 0 : index
    %get3A_17 = arith.constant 0 : index
    %get3A_18 = vector.load %arg4[%get3A_16, %get3A_17] : memref<1024x128xf32, #tpu.memory_space<vmem>>, vector<1024x128xf32>
    %dot_general3A_19 = arith.constant dense<0.000000e+00> : vector<1024x128xf32>
    %dot_general3A_20 = tpu.matmul %get3A_1, %get3A_18, %dot_general3A_19 {dimension_numbers = #tpu.dot_dimension_numbers<[1], [0], [0], [1], [0, 0, 1, 1], [], []>, transpose_lhs_hint = false} : vector<1024x1024xf32>, vector<1024x128xf32>, vector<1024x128xf32> -> vector<1024x128xf32>
    %swap3A_21 = arith.constant 0 : index
    %swap3A_22 = arith.constant 0 : index
    %swap3A_23 = vector.load %arg7[%swap3A_21, %swap3A_22] : memref<1024x128xf32, #tpu.memory_space<vmem>>, vector<1024x128xf32>
    tpu.vector_store %arg7[%swap3A_21, %swap3A_22], %dot_general3A_20 {strides = array<i32>} : memref<1024x128xf32, #tpu.memory_space<vmem>>, vector<1024x128xf32>,
    return
  }
  func.func @transform_0(%arg0: i32) -> (i32, i32) {
    %c0_i32 = arith.constant 0 : i32
    %c0_i32_0 = arith.constant 0 : i32
    return %arg0, %c0_i32 : i32, i32
  }
  func.func @transform_1(%arg0: i32) -> (i32, i32) {
    %c0_i32 = arith.constant 0 : i32
    %c0_i32_0 = arith.constant 0 : i32
    %c0_i32_1 = arith.constant 0 : i32
    return %c0_i32, %c0_i32_0 : i32, i32
  }
  func.func @transform_2(%arg0: i32) -> (i32, i32) {
    %c0_i32 = arith.constant 0 : i32
    %c0_i32_0 = arith.constant 0 : i32
    %c0_i32_1 = arith.constant 0 : i32
    return %c0_i32, %c0_i32_0 : i32, i32
  }
  func.func @transform_3(%arg0: i32) -> (i32, i32) {
    %c0_i32 = arith.constant 0 : i32
    %c0_i32_0 = arith.constant 0 : i32
    %c0_i32_1 = arith.constant 0 : i32
    return %c0_i32, %c0_i32_0 : i32, i32
  }
  func.func @transform_4(%arg0: i32) -> (i32, i32) {
    %c0_i32 = arith.constant 0 : i32
    %c0_i32_0 = arith.constant 0 : i32
    return %c0_i32, %arg0 : i32, i32
  }
  func.func @transform_5(%arg0: i32) -> (i32, i32) {
    %c0_i32 = arith.constant 0 : i32
    %c0_i32_0 = arith.constant 0 : i32
    return %arg0, %c0_i32 : i32, i32
  }
  func.func @transform_6(%arg0: i32) -> (i32, i32) {
    %c0_i32 = arith.constant 0 : i32
    %c0_i32_0 = arith.constant 0 : i32
    return %arg0, %c0_i32 : i32, i32
  }
}

module attributes {stable_mosaic.version = 14 : i64} {
  func.func @_stage3_kernel(%arg0: i32, %arg1: memref<1024x128xf32, #tpu.memory_space<vmem>>, %arg2: memref<1024x128xf32, #tpu.memory_space<vmem>>, %arg3: memref<1024x1xf32, #tpu.memory_space<vmem>>, %arg4: memref<1024x1xi32, #tpu.memory_space<vmem>>, %arg5: memref<128x1024xf32, #tpu.memory_space<vmem>>, %arg6: memref<128x1024xf32, #tpu.memory_space<vmem>>, %arg7: memref<1024x1024xf32, #tpu.memory_space<vmem>>, %arg8: memref<1024x1024xf32, #tpu.memory_space<vmem>>) attributes {dimension_semantics = [#tpu.dimension_semantics<arbitrary>], iteration_bounds = array<i64: 2>, scalar_prefetch = 0 : i64, scratch_operands = 0 : i64, tpu.core_type = #tpu.core_type<tc>, window_params = [{transform_indices = @transform_0, window_bounds = array<i64: 1024, 128>}, {transform_indices = @transform_1, window_bounds = array<i64: 1024, 128>}, {transform_indices = @transform_2, window_bounds = array<i64: 1024, 1>}, {transform_indices = @transform_3, window_bounds = array<i64: 1024, 1>}, {pipeline_mode = #tpu.pipeline_mode<synchronous>, transform_indices = @transform_4, window_bounds = array<i64: 128, 1024>}, {pipeline_mode = #tpu.pipeline_mode<synchronous>, transform_indices = @transform_5, window_bounds = array<i64: 128, 1024>}, {transform_indices = @transform_6, window_bounds = array<i64: 1024, 1024>}, {transform_indices = @transform_7, window_bounds = array<i64: 1024, 1024>}]} {
    %iota3A = tpu.iota {dimensions = array<i32: 1>} : vector<1024x128xi32>
    %jit3A = arith.constant 16 : i32
    %div3A = vector.broadcast %jit3A : i32 to vector<1024x128xi32>
    %div3A_0 = arith.divsi %iota3A, %div3A : vector<1024x128xi32>
    %sign3A = arith.constant 0 : i32
    %sign3A_1 = vector.broadcast %sign3A : i32 to vector<1024x128xi32>
    %sign3A_2 = arith.cmpi sgt, %iota3A, %sign3A_1 : vector<1024x128xi32>
    %sign3A_3 = arith.extui %sign3A_2 : vector<1024x128xi1> to vector<1024x128xi32>
    %sign3A_4 = arith.constant 0 : i32
    %sign3A_5 = vector.broadcast %sign3A_4 : i32 to vector<1024x128xi32>
    %sign3A_6 = arith.cmpi slt, %iota3A, %sign3A_5 : vector<1024x128xi32>
    %sign3A_7 = arith.extui %sign3A_6 : vector<1024x128xi1> to vector<1024x128xi32>
    %sign3A_8 = arith.subi %sign3A_3, %sign3A_7 : vector<1024x128xi32>
    %sign3A_9 = arith.constant 0 : i32
    %sign3A_10 = arith.cmpi sgt, %jit3A, %sign3A_9 : i32
    %sign3A_11 = arith.extui %sign3A_10 : i1 to i32
    %sign3A_12 = arith.constant 0 : i32
    %sign3A_13 = arith.cmpi slt, %jit3A, %sign3A_12 : i32
    %sign3A_14 = arith.extui %sign3A_13 : i1 to i32
    %sign3A_15 = arith.subi %sign3A_11, %sign3A_14 : i32
    %ne3A = vector.broadcast %sign3A_15 : i32 to vector<1024x128xi32>
    %ne3A_16 = arith.cmpi ne, %sign3A_8, %ne3A : vector<1024x128xi32>
    %rem3A = vector.broadcast %jit3A : i32 to vector<1024x128xi32>
    %rem3A_17 = arith.remsi %iota3A, %rem3A : vector<1024x128xi32>
    %ne3A_18 = arith.constant 0 : i32
    %ne3A_19 = vector.broadcast %ne3A_18 : i32 to vector<1024x128xi32>
    %ne3A_20 = arith.cmpi ne, %rem3A_17, %ne3A_19 : vector<1024x128xi32>
    %and3A = arith.andi %ne3A_16, %ne3A_20 : vector<1024x128xi1>
    %sub3A = arith.constant 1 : i32
    %sub3A_21 = vector.broadcast %sub3A : i32 to vector<1024x128xi32>
    %sub3A_22 = arith.subi %div3A_0, %sub3A_21 : vector<1024x128xi32>
    %select_n3A = arith.select %and3A, %sub3A_22, %div3A_0 : vector<1024x128xi1>, vector<1024x128xi32>
    %get3A = arith.constant 0 : index
    %get3A_23 = arith.constant 0 : index
    %get3A_24 = vector.load %arg4[%get3A, %get3A_23] : memref<1024x1xi32, #tpu.memory_space<vmem>>, vector<1024x1xi32>
    %eq3A = vector.broadcast %get3A_24 : vector<1024x1xi32> to vector<1024x128xi32>
    %eq3A_25 = arith.cmpi eq, %select_n3A, %eq3A : vector<1024x128xi32>
    %get3A_26 = arith.constant 0 : index
    %get3A_27 = arith.constant 0 : index
    %get3A_28 = vector.load %arg3[%get3A_26, %get3A_27] : memref<1024x1xf32, #tpu.memory_space<vmem>>, vector<1024x1xf32>
    %jit3A_29 = arith.constant 0.000000e+00 : f32
    %broadcast_in_dim3A = vector.shape_cast %get3A_28 : vector<1024x1xf32> to vector<1024x1xf32>
    %broadcast_in_dim3A_30 = vector.broadcast %broadcast_in_dim3A : vector<1024x1xf32> to vector<1024x128xf32>
    %broadcast_in_dim3A_31 = vector.broadcast %jit3A_29 : f32 to vector<1024x128xf32>
    %select_n3A_32 = arith.select %eq3A_25, %broadcast_in_dim3A_30, %broadcast_in_dim3A_31 : vector<1024x128xi1>, vector<1024x128xf32>
    %get3A_33 = arith.constant 0 : index
    %get3A_34 = arith.constant 0 : index
    %get3A_35 = vector.load %arg1[%get3A_33, %get3A_34] : memref<1024x128xf32, #tpu.memory_space<vmem>>, vector<1024x128xf32>
    %mul3A = arith.mulf %get3A_35, %select_n3A_32 : vector<1024x128xf32>
    %get3A_36 = arith.constant 0 : index
    %get3A_37 = arith.constant 0 : index
    %get3A_38 = vector.load %arg5[%get3A_36, %get3A_37] : memref<128x1024xf32, #tpu.memory_space<vmem>>, vector<128x1024xf32>
    %dot_general3A = arith.constant dense<0.000000e+00> : vector<1024x1024xf32>
    %dot_general3A_39 = tpu.matmul %mul3A, %get3A_38, %dot_general3A {dimension_numbers = #tpu.dot_dimension_numbers<[1], [0], [0], [1], [0, 0, 1, 1], [], []>, transpose_lhs_hint = false} : vector<1024x128xf32>, vector<128x1024xf32>, vector<1024x1024xf32> -> vector<1024x1024xf32>
    %swap3A = arith.constant 0 : index
    %swap3A_40 = arith.constant 0 : index
    %swap3A_41 = vector.load %arg7[%swap3A, %swap3A_40] : memref<1024x1024xf32, #tpu.memory_space<vmem>>, vector<1024x1024xf32>
    tpu.vector_store %arg7[%swap3A, %swap3A_40], %dot_general3A_39 {strides = array<i32>} : memref<1024x1024xf32, #tpu.memory_space<vmem>>, vector<1024x1024xf32>,
    %get3A_42 = arith.constant 0 : index
    %get3A_43 = arith.constant 0 : index
    %get3A_44 = vector.load %arg2[%get3A_42, %get3A_43] : memref<1024x128xf32, #tpu.memory_space<vmem>>, vector<1024x128xf32>
    %mul3A_45 = arith.mulf %get3A_44, %select_n3A_32 : vector<1024x128xf32>
    %get3A_46 = arith.constant 0 : index
    %get3A_47 = arith.constant 0 : index
    %get3A_48 = vector.load %arg6[%get3A_46, %get3A_47] : memref<128x1024xf32, #tpu.memory_space<vmem>>, vector<128x1024xf32>
    %dot_general3A_49 = arith.constant dense<0.000000e+00> : vector<1024x1024xf32>
    %dot_general3A_50 = tpu.matmul %mul3A_45, %get3A_48, %dot_general3A_49 {dimension_numbers = #tpu.dot_dimension_numbers<[1], [0], [0], [1], [0, 0, 1, 1], [], []>, transpose_lhs_hint = false} : vector<1024x128xf32>, vector<128x1024xf32>, vector<1024x1024xf32> -> vector<1024x1024xf32>
    %swap3A_51 = arith.constant 0 : index
    %swap3A_52 = arith.constant 0 : index
    %swap3A_53 = vector.load %arg8[%swap3A_51, %swap3A_52] : memref<1024x1024xf32, #tpu.memory_space<vmem>>, vector<1024x1024xf32>
    tpu.vector_store %arg8[%swap3A_51, %swap3A_52], %dot_general3A_50 {strides = array<i32>} : memref<1024x1024xf32, #tpu.memory_space<vmem>>, vector<1024x1024xf32>,
    return
  }
  func.func @transform_0(%arg0: i32) -> (i32, i32) {
    %c0_i32 = arith.constant 0 : i32
    %c0_i32_0 = arith.constant 0 : i32
    return %arg0, %c0_i32 : i32, i32
  }
  func.func @transform_1(%arg0: i32) -> (i32, i32) {
    %c0_i32 = arith.constant 0 : i32
    %c0_i32_0 = arith.constant 0 : i32
    return %arg0, %c0_i32 : i32, i32
  }
  func.func @transform_2(%arg0: i32) -> (i32, i32) {
    %c0_i32 = arith.constant 0 : i32
    %c0_i32_0 = arith.constant 0 : i32
    return %arg0, %c0_i32 : i32, i32
  }
  func.func @transform_3(%arg0: i32) -> (i32, i32) {
    %c0_i32 = arith.constant 0 : i32
    %c0_i32_0 = arith.constant 0 : i32
    return %arg0, %c0_i32 : i32, i32
  }
  func.func @transform_4(%arg0: i32) -> (i32, i32) {
    %c0_i32 = arith.constant 0 : i32
    %c0_i32_0 = arith.constant 0 : i32
    %c0_i32_1 = arith.constant 0 : i32
    return %c0_i32, %c0_i32_0 : i32, i32
  }
  func.func @transform_5(%arg0: i32) -> (i32, i32) {
    %c0_i32 = arith.constant 0 : i32
    %c0_i32_0 = arith.constant 0 : i32
    %c0_i32_1 = arith.constant 0 : i32
    return %c0_i32, %c0_i32_0 : i32, i32
  }
  func.func @transform_6(%arg0: i32) -> (i32, i32) {
    %c0_i32 = arith.constant 0 : i32
    %c0_i32_0 = arith.constant 0 : i32
    return %arg0, %c0_i32 : i32, i32
  }
  func.func @transform_7(%arg0: i32) -> (i32, i32) {
    %c0_i32 = arith.constant 0 : i32
    %c0_i32_0 = arith.constant 0 : i32
    return %arg0, %c0_i32 : i32, i32
  }
}

</mosaic_0001>

<sc_bundles>
// kernel: kernel.5.cloned.1.call-start
scs
__scs_entry_jumppad:
0x0: {  	(pc) =	sbr.rel $0x88, $3  }
0x1: {  	(tag) =	ssettag $0x0;
	lr =	simm.s32 $0x1  }
0x2: {  	[smem:$0x3F9B] =	sst lr;
	_ =	strace $0xD0000000  }
0x3: {  	_ = 	snop  }
0x4: {  	_ = 	snop  }
0x5: {  	_ = 	snop  }
0x6: {  	_ = 	snop  }
0x7: {  	_ = 	snop  }
__scs_overlays_trampoline_lowered:
0x8: {  	[smem:$0x3FAA] =	sst s0  }
0x9: {  	[smem:$0x3FAB] =	sst s1  }
0xa: {  	[smem:$0x3FAC] =	sst s2  }
0xb: {  	[smem:$0x3FAD] =	sst s3  }
0xc: {  	[smem:$0x3FAE] =	sst s4  }
0xd: {  	[smem:$0x3FAF] =	sst s5  }
0xe: {  	[smem:$0x3FB0] =	sst s6  }
0xf: {  	[smem:$0x3FB1] =	sst s7  }
0x10: {  	[smem:$0x3FB2] =	sst s8  }
0x11: {  	[smem:$0x3FB3] =	sst s9;
	s0 =	simm.s32 @!p0 $0x0  }
0x12: {  	s1 =	sld [smem:$0x3F99];
	s0 =	simm.s32 @p0 $0x1  }
0x13: {  	[smem:$0x3FB4] =	sst s0;
	s0 =	simm.s32 @!p1 $0x0  }
0x14: {  	s2 =	sld [smem:$0x3F98];
	s0 =	simm.s32 @p1 $0x1  }
0x15: {  	[smem:$0x3FB5] =	sst s0;
	s0 =	simm.s32 @!p2 $0x0  }
0x16: {  	s3 =	sld [smem:$0x3FDB];
	s0 =	simm.s32 @p2 $0x1  }
0x17: {  	s4 =	simm.s32 $0x1BF5;
	[smem:$0x3FB7] =	sst s0  }
0x18: {  	s0 =	sld [smem:$0x3F9A];
	_ =	swait.ge [sflag:s4], $0x0  }
0x19: {  	s7 =	sld [smem:$0x3F9B]  }
0x1a: {  	s8 =	sadd.s32 $0xFFFFE003, lr  }
0x1b: {  	s9 =	sadd.s32 $0xFFFFFEF7, lr;
	s5 =	simm.s32 $0xFFFFFFFF;
	p2 =	slt.u32 s8, $0xFFFFF086  }
0x1c: {  	p1 =	slt.u32 s9, $0xF7A;
	s5 =	simm.s32 @!p2 $0x0  }
0x1d: {  	s5 =	simm.s32 @p1 $0x1;
	p0 =	seq.s32 s7, s2  }
0x1e: {  	s7 =	smul.u32 @!p0 $0xF7A, s2;
	p2 =	seq.s32 @!p0 s5, $0x0  }
0x1f: {  	s9 =	smul.u32 $0xF7A, s1;
	s8 =	simm.s32 @!p0 $0x1BF5;
	p2 =	por !p2, p0  }
0x20: {  	[sflag:s8] =	ssyncset.s32 @!p0 $0xFFFFF086;
	s6 =	sadd.s32 @!p0 s3, s7;
	s7 =	simm.s32 @!p0 $0x108  }
0x21: {  	s3 =	sadd.s32 s3, s9;
	s6 =	sadd.s32 @!p0 $0x88, s6;
	s7 =	simm.s32 @p2 $0x1082  }
0x22: {  	[simem:s7], [sflag:s8] =	dma.local @!p0 [hbm:s6], $0xF7A  }
0x23: {  	s9 =	sor.u32 $0xD0000000, s2;
	s6 =	simm.s32 $0x108;
	_ =	swait.ge @!p0 [sflag:s8], $0x0  }
0x24: {  	s3 =	sadd.s32 $0x88, s3;
	s6 =	simm.s32 @!p1 $0x1082;
	[sflag:s4] =	ssyncset.s32 $0xFFFFF086  }
0x25: {  	[simem:s6], [sflag:s4] =	dma.local [hbm:s3], $0xF7A  }
0x26: {  	[smem:$0x3F9B] =	sst s1;
	(tag) =	ssettag s2;
	_ =	strace s9  }
0x27: {  	s1 =	sld [smem:$0x3FAB]  }
0x28: {  	s2 =	sld [smem:$0x3FAC]  }
0x29: {  	s4 =	sld [smem:$0x3FAE]  }
0x2a: {  	p0 =	seq.s32 s5, $0x0;
	s5 =	sld [smem:$0x3FAF]  }
0x2b: {  	s6 =	sld [smem:$0x3FB0]  }
0x2c: {  	s7 =	sld [smem:$0x3FB1]  }
0x2d: {  	s3 =	simm.s32 $0x108;
	s8 =	sld [smem:$0x3FB2]  }
0x2e: {  	s3 =	simm.s32 @!p0 $0x1082;
	s9 =	sld [smem:$0x3FB3]  }
0x2f: {  	lr =	sadd.s32 s0, s3;
	s0 =	sld [smem:$0x3FAA]  }
0x30: {  	s3 =	sld [smem:$0x3FAD]  }
0x31: {  	[smem:$0x3FB6] =	sst s10  }
0x32: {  	s10 =	sld [smem:$0x3FB4];
	_ =	sdelay $0x3  }
0x33: {  	p0 =	seq.s32 s10, $0x1;
	s10 =	sld [smem:$0x3FB6];
	_ =	sdelay $0x3  }
0x34: {  	[smem:$0x3FB6] =	sst s10  }
0x35: {  	s10 =	sld [smem:$0x3FB5];
	_ =	sdelay $0x3  }
0x36: {  	p1 =	seq.s32 s10, $0x1;
	s10 =	sld [smem:$0x3FB6];
	_ =	sdelay $0x3  }
0x37: {  	[smem:$0x3FB6] =	sst s10  }
0x38: {  	s10 =	sld [smem:$0x3FB7]  }
0x39: {  	_ = 	snop;
	(pc) =	sbr.ind lr, $3  }
0x3a: {  	_ = 	snop  }
0x3b: {  	_ = 	snop  }
0x3c: {  	p2 =	seq.s32 s10, $0x1;
	s10 =	sld [smem:$0x3FB6]  }
0x3d: {  	_ =	shalt  }
0x3e: {  	_ =	shalt  }
0x3f: {  	_ =	shalt  }
0x40: {  	_ =	shalt  }
0x41: {  	_ =	shalt  }
0x42: {  	_ =	shalt  }
0x43: {  	_ =	shalt  }
0x44: {  	_ =	shalt  }
0x45: {  	_ =	shalt  }
0x46: {  	_ =	shalt  }
0x47: {  	_ =	shalt  }
0x48: {  	_ =	shalt  }
0x49: {  	_ =	shalt  }
0x4a: {  	_ =	shalt  }
0x4b: {  	_ =	shalt  }
0x4c: {  	_ =	shalt  }
0x4d: {  	_ =	shalt  }
0x4e: {  	_ =	shalt  }
0x4f: {  	_ =	shalt  }
0x50: {  	_ =	shalt  }
0x51: {  	_ =	shalt  }
0x52: {  	_ =	shalt  }
0x53: {  	_ =	shalt  }
0x54: {  	_ =	shalt  }
0x55: {  	_ =	shalt  }
0x56: {  	_ =	shalt  }
0x57: {  	_ =	shalt  }
0x58: {  	_ =	shalt  }
0x59: {  	_ =	shalt  }
0x5a: {  	_ =	shalt  }
0x5b: {  	_ =	shalt  }
0x5c: {  	_ =	shalt  }
0x5d: {  	_ =	shalt  }
0x5e: {  	_ =	shalt  }
0x5f: {  	_ =	shalt  }
0x60: {  	_ =	shalt  }
0x61: {  	_ =	shalt  }
0x62: {  	_ =	shalt  }
0x63: {  	_ =	shalt  }
0x64: {  	_ =	shalt  }
0x65: {  	_ =	shalt  }
0x66: {  	_ =	shalt  }
0x67: {  	_ =	shalt  }
0x68: {  	_ =	shalt  }
0x69: {  	_ =	shalt  }
0x6a: {  	_ =	shalt  }
0x6b: {  	_ =	shalt  }
0x6c: {  	_ =	shalt  }
0x6d: {  	_ =	shalt  }
0x6e: {  	_ =	shalt  }
0x6f: {  	_ =	shalt  }
0x70: {  	_ =	shalt  }
0x71: {  	_ =	shalt  }
0x72: {  	_ =	shalt  }
0x73: {  	_ =	shalt  }
0x74: {  	_ =	shalt  }
0x75: {  	_ =	shalt  }
0x76: {  	_ =	shalt  }
0x77: {  	_ =	shalt  }
0x78: {  	_ =	shalt  }
0x79: {  	_ =	shalt  }
0x7a: {  	_ =	shalt  }
0x7b: {  	_ =	shalt  }
0x7c: {  	_ =	shalt  }
0x7d: {  	_ =	shalt  }
0x7e: {  	_ =	shalt  }
0x7f: {  	_ =	shalt  }
0x80: {  	_ =	shalt  }
0x81: {  	_ =	shalt  }
0x82: {  	_ =	shalt  }
0x83: {  	_ =	shalt  }
0x84: {  	_ =	shalt  }
0x85: {  	_ =	shalt  }
0x86: {  	_ =	shalt  }
0x87: {  	_ =	shalt  }
.Lfunc_end0:
.L_simem_size_0:
called_computation_lowered:
.L_overlay_start_0:
0x88: {  	s2 =	sld [smem:$0x3FD9]  }
0x89: {  	s3 =	sld [smem:$0x3FFE];
	_ =	sdelay $0x1  }
0x8a: {  	s1 =	srdreg.scid  }
0x8b: {  	s0 =	sand.u32 $0x1, s1  }
0x8c: {  	s14 =	sshll.u32 s0, $0xA;
	s2 =	sadd.s32 s3, s2  }
0x8d: {  	s2 =	sadd.s32 s2, s14  }
0x8e: {  	[smem:$0x3FC2] =	sst s2  }
0x8f: {  	_ = 	snop  }
0x90: {  	s2 =	sld [smem:$0x3FD0];
	_ =	sdelay $0x2  }
0x91: {  	s15 =	simm.s32 $0xA;
	s4 =	simm.s32 $0x10  }
0x92: {  	[smem:s4], [sflag:s15] =	dma.local [hbm:s2], $0x1  }
0x93: {  	_ =	swait.eq [sflag:s15], $0x1  }
0x94: {  	[sflag:s15] =	ssyncset.done $0x0  }
0x95: {  	s16 =	sld [smem:$0x10];
	[sflag:s15] =	ssyncadd.s32 $0xFFFFFFFF  }
0x96: {  	s17 =	sld [smem:$0x11];
	(tm) =	ssettm $0x1  }
0x97: {  	s18 =	sld [smem:$0x3FFB];
	_ =	sdelay $0x3  }
0x98: {  	_ =	strace s18  }
0x99: {  	s4 =	sld [smem:$0x3FFC];
	_ =	sdelay $0x3  }
0x9a: {  	_ =	strace s4  }
0x9b: {  	s4 =	sld [smem:$0x3FFD];
	_ =	sdelay $0x3  }
0x9c: {  	_ =	strace s4  }
0x9d: {  	_ =	strace $0x8FFFFFFF  }
0x9e: {  	s19 =	sld [smem:$0x3FDB];
	_ =	sdelay $0x1  }
0x9f: {  	s5 =	simm.s32 $_scs_section_size  }
0xa0: {  	s6 =	simm.s32 $_size__tile_overlayer_lowered;
	s7 =	simm.s32 $_tile_overlayer_lowered  }
0xa1: {  	s22 =	simm.s32 $0x1BFF;
	s21 =	sshll.u32 s7, $0x1;
	s4 =	sadd.s32 s5, s19  }
0xa2: {  	s8 =	simm.s32 $0x0;
	s20 =	sshll.u32 s6, $0x1;
	s6 =	sadd.s32 s21, s4  }
0xa3: {  	[timem:s8], [sflag:s22] =	dma.local [hbm:s6], s20  }
0xa4: {  	_ =	swait.ge [sflag:s22], s20  }
0xa5: {  	s5 =	ssub.s32 $0x0, s20;
	[sflag:s22] =	ssyncset.done $0x0  }
0xa6: {  	[sflag:s22] =	ssyncadd.s32 s5;
	_ =	sdelay $0x1  }
0xa7: {  	s23 =	simm.s32 $0x1B8B  }
0xa8: {  	_ =	swait.ge [sflag:s23], $0x1  }
0xa9: {  	[sflag:s23] =	ssyncset.done $0x0  }
0xaa: {  	s25 =	simm.s32 $0x1B8E;
	s24 =	sld [smem:$0x3FFE];
	[sflag:s23] =	ssyncadd.s32 $0xFFFFFFFF  }
0xab: {  	s26 =	simm.s32 $execute0_lowered;
	[smem:$0x3FD2] =	sst s25  }
0xac: {  	s6 =	sshll.u32 s26, $0x1;
	_ =	strace $0x80000046;
	[dreg:$0x1] =	wrdreg $0xFFFFFFFF  }
0xad: {  	s28 =	simm.s32 $_size_execute0_lowered;
	s4 =	sadd.s32 s4, s6;
	[dreg:$0x0] =	wrdreg $0x0  }
0xae: {  	s6 =	sshll.u32 s28, $0x1;
	[dreg:$0x2] =	wrdreg s4  }
0xaf: {  	[dreg:$0x3] =	wrdreg s6  }
0xb0: {  	[dreg:$0x4] =	wrdreg $0xC0  }
0xb1: {  	_ =	task [dreg:s8], $0x5FFFF  }
0xb2: {  	[dreg:$0x1] =	wrdreg $0xFFFFFFFF  }
0xb3: {  	[dreg:$0x0] =	wrdreg $0x60  }
0xb4: {  	[dreg:$0x2] =	wrdreg s17  }
0xb5: {  	[dreg:$0x3] =	wrdreg s16  }
0xb6: {  	[dreg:$0x4] =	wrdreg s24  }
0xb7: {  	[dreg:$0x5] =	wrdreg $0x9  }
0xb8: {  	_ =	task.clear_ibuf [dreg:s8], $0x6FFFF;
	_ =	strace $0x90000046  }
0xb9: {  	s29 =	simm.s32 $0x9;
	_ =	strace $0x80000048  }
0xba: {  	_ =	swait.ge [sflag:s29], $0x1  }
0xbb: {  	[sflag:s29] =	ssyncadd.s32 $0xFFFFFFFF  }
0xbc: {  	_ =	strace $0x90000048  }
0xbd: {  	_ =	sfence  }
0xbe: {  	s30 =	sld [smem:$0x0];
	_ =	sdelay $0x2  }
0xbf: {  	s31 =	sshll.u32 s1, $0xD;
	s1 =	sshrl.u32 s1, $0x2  }
0xc0: {  	s3 =	sand.u32 $0x4000, s31;
	s1 =	sadd.s32 s1, s30  }
0xc1: {  	s0 =	sor.u32 s3, s0;
	s1 =	sshll.u32 s1, $0x11  }
0xc2: {  	s0 =	sor.u32 s1, s0  }
0xc3: {  	s0 =	sadd.s32 $0x8F2B, s0  }
0xc4: {  	[sflag:s0] =	ssyncadd.remote.s32 $0x1  }
0xc5: {  	_ =	sfence.sel $0xFFFF  }
0xc6: {  	[dreg:$0x0] =	wrdreg $0xFFFFFFFF;
	(pc) =	sbr.abs _section_cstart, $3  }
0xc7: {  	[dreg:$0x1] =	wrdreg $0xFFFFFFFF  }
0xc8: {  	_ =	task.clear_ibuf [dreg:s8], $0x2FFFF;
	_ =	strace $0x9FFFFFFF  }
0xc9: {  	(tm) =	ssettm $0x7FFFFFFF  }
tec
execute0_lowered:
.L_overlay_start_1:
0x0: {  	(tag) =	ssettag $0x1  }
0x1: {  	s10 =	rddreg [dreg:$0x0]  }
0x2: {  	s11 =	rddreg [dreg:$0x1]  }
0x3: {  	s3 =	rddreg [dreg:$0x2];
	s2 =	srdreg.scid  }
0x4: {  	s0 =	rddreg [dreg:$0x3];
	s1 =	stileid.u32  }
0x5: {  	s17 =	simm.s32 $0x180;
	s18 =	simm.s32 $0x200;
	s19 =	simm.s32 $0x280  }
0x6: {  	s20 =	simm.s32 $0x300;
	s21 =	simm.s32 $0x380;
	s22 =	simm.s32 $0x400  }
0x7: {  	s23 =	simm.s32 $0x480;
	s4 =	sand.u32 $0x1, s2;
	s2 =	simm.s32 $0x0  }
0x8: {  	s5 =	sshll.u32 s1, $0x7;
	s7 =	sshll.u32 s1, $0xA;
	s6 =	sshll.u32 s4, $0x6  }
0x9: {  	[smem:$0x7FF] =	sst s2;
	s29 =	ssub.s32 $0x2, s4;
	s4 =	sshll.u32 s4, $0x3  }
0xa: {  	s5 =	sor.u32 s6, s5;
	_ =	strace $0x80000047;
	s6 =	sor.u32 s6, s7  }
0xb: {  	s30 =	sshrl.u32 s29, $0x1;
	s12 =	sshrl.u32 s5, $0x3;
	s6 =	sshrl.u32 s6, $0x3  }
0xc: {  	s14 =	ssub.s32 s29, s30;
	s9 =	sor.u32 s4, s5;
	s13 =	sadd.s32 s12, s3  }
0xd: {  	s3 =	sadd.s32 s10, s6;
	s31 =	sor.u32 $0x40, s9;
	s8 =	sor.u32 $0x50, s9  }
0xe: {  	s15 =	sor.u32 $0x60, s9;
	s16 =	sor.u32 $0x70, s9;
	s11 =	sadd.s32 s11, s12  }
0xf: {  	s4 =	sadd.s32 $0x10, s3;
	s5 =	sadd.s32 $0x20, s3;
	s6 =	sadd.s32 $0x30, s3  }
0x10: {  	s7 =	sadd.s32 s10, s31;
	s8 =	sadd.s32 s10, s8;
	s9 =	sadd.s32 s10, s15  }
0x11: {  	s10 =	sadd.s32 s10, s16;
	s12 =	sadd.s32 $0x1600, s13;
	s13 =	smax.u32 s14, $0x1  }
0x12: {  	v0 =	vimm.s32 $0x7;
	s14 =	simm.s32 $0x1;
	s15 =	simm.s32 $0x80;
	s16 =	simm.s32 $0x100  }
.LBB2_1:
0x13: {  	[tilespmem:s2], [sflag:$0x1] =	stream.linear.gather [hbm4b:s3+s2], $0x40, $0x38;
	[tilespmem:$0x500] =	vst v63  }
0x14: {  	_ =	swait.ge [sflag:s14], $0x40  }
0x15: {  	[sflag:s14] =	ssyncset.done $0x0  }
0x16: {  	[sflag:s14] =	ssyncadd.s32 $0xFFFFFFC0  }
0x17: {  	[tilespmem:s15], [sflag:$0x1] =	stream.linear.gather [hbm4b:s4+s2], $0x40, $0x38;
	[tilespmem:$0x500] =	vst v63  }
0x18: {  	_ =	swait.ge [sflag:s14], $0x40  }
0x19: {  	[sflag:s14] =	ssyncset.done $0x0  }
0x1a: {  	[sflag:s14] =	ssyncadd.s32 $0xFFFFFFC0  }
0x1b: {  	[tilespmem:s16], [sflag:$0x1] =	stream.linear.gather [hbm4b:s5+s2], $0x40, $0x38;
	[tilespmem:$0x500] =	vst v63  }
0x1c: {  	_ =	swait.ge [sflag:s14], $0x40  }
0x1d: {  	[sflag:s14] =	ssyncset.done $0x0  }
0x1e: {  	[sflag:s14] =	ssyncadd.s32 $0xFFFFFFC0  }
0x1f: {  	[tilespmem:s17], [sflag:$0x1] =	stream.linear.gather [hbm4b:s6+s2], $0x40, $0x38;
	[tilespmem:$0x500] =	vst v63  }
0x20: {  	_ =	swait.ge [sflag:s14], $0x40  }
0x21: {  	[sflag:s14] =	ssyncset.done $0x0  }
0x22: {  	[sflag:s14] =	ssyncadd.s32 $0xFFFFFFC0  }
0x23: {  	[tilespmem:s18], [sflag:$0x1] =	stream.linear.gather [hbm4b:s7+s2], $0x40, $0x38;
	[tilespmem:$0x500] =	vst v63  }
0x24: {  	_ =	swait.ge [sflag:s14], $0x40  }
0x25: {  	[sflag:s14] =	ssyncset.done $0x0  }
0x26: {  	[sflag:s14] =	ssyncadd.s32 $0xFFFFFFC0  }
0x27: {  	[tilespmem:s19], [sflag:$0x1] =	stream.linear.gather [hbm4b:s8+s2], $0x40, $0x38;
	[tilespmem:$0x500] =	vst v63  }
0x28: {  	_ =	swait.ge [sflag:s14], $0x40  }
0x29: {  	[sflag:s14] =	ssyncset.done $0x0  }
0x2a: {  	[sflag:s14] =	ssyncadd.s32 $0xFFFFFFC0  }
0x2b: {  	[tilespmem:s20], [sflag:$0x1] =	stream.linear.gather [hbm4b:s9+s2], $0x40, $0x38;
	[tilespmem:$0x500] =	vst v63  }
0x2c: {  	_ =	swait.ge [sflag:s14], $0x40  }
0x2d: {  	[sflag:s14] =	ssyncset.done $0x0  }
0x2e: {  	[sflag:s14] =	ssyncadd.s32 $0xFFFFFFC0  }
0x2f: {  	[tilespmem:s21], [sflag:$0x1] =	stream.linear.gather [hbm4b:s10+s2], $0x40, $0x38;
	[tilespmem:$0x500] =	vst v63  }
0x30: {  	_ =	swait.ge [sflag:s14], $0x40  }
0x31: {  	[sflag:s14] =	ssyncset.done $0x0  }
0x32: {  	[sflag:s14] =	ssyncadd.s32 $0xFFFFFFC0  }
0x33: {  	v1 =	vld [tilespmem:$0x0]  }
0x34: {  	v2 =	vld [tilespmem:$0x80]  }
0x35: {  	v3 =	vld [tilespmem:$0x100]  }
0x36: {  	v4 =	vld [tilespmem:$0x180]  }
0x37: {  	v7 =	vld [tilespmem:$0x200]  }
0x38: {  	v8 =	vld [tilespmem:$0x280]  }
0x39: {  	v10 =	vld [tilespmem:$0x300];
	v5 =	vmax.f32 v1, v2  }
0x3a: {  	v9 =	vld [tilespmem:$0x380];
	v5 =	vmax.f32 v5, v3  }
0x3b: {  	v5 =	vmax.f32 v5, v4  }
0x3c: {  	v5 =	vmax.f32 v5, v7  }
0x3d: {  	v5 =	vmax.f32 v5, v8  }
0x3e: {  	v5 =	vmax.f32 v5, v10  }
0x3f: {  	v6 =	vmax.f32 v5, v9  }
0x40: {  	v5 =	vsub.f32 v1, v6  }
0x41: {  	v11 =	vsub.f32 v2, v6  }
0x42: {  	v5 =	vmul.f32 $1.442695020e+00, v5  }
0x43: {  	v12 =	vsub.f32 v3, v6;
	v11 =	vmul.f32 $1.442695020e+00, v11  }
0x44: {  	(erf) = vpow2.f32 v5  }
0x45: {  	v52 =	vsub.f32 v4, v6;
	v51 =	vmul.f32 $1.442695020e+00, v12;
	(erf) = vpow2.f32 v11;
	_ =	sdelay $0x1  }
0x46: {  	v54 =	vsub.f32 v7, v6;
	v53 =	vmul.f32 $1.442695020e+00, v52;
	(erf) = vpow2.f32 v51;
	_ =	sdelay $0x1  }
0x47: {  	v56 =	vsub.f32 v8, v6;
	v55 =	vmul.f32 $1.442695020e+00, v54;
	(erf) = vpow2.f32 v53;
	_ =	sdelay $0x1  }
0x48: {  	v58 =	vsub.f32 v10, v6;
	v57 =	vmul.f32 $1.442695020e+00, v56;
	(erf) = vpow2.f32 v55;
	_ =	sdelay $0x1  }
0x49: {  	v13 =	vsub.f32 v9, v6;
	v9 =	vld [tilespmem:$0x90];
	v11 =	vmul.f32 $1.442695020e+00, v58;
	v59 =	vpop (erf);
	(erf) = vpow2.f32 v57  }
0x4a: {  	v5 =	vld [tilespmem:$0x10];
	v14 =	vpop (erf)  }
0x4b: {  	v13 =	vmul.f32 $1.442695020e+00, v13;
	(erf) = vpow2.f32 v11;
	v11 =	vld [tilespmem:$0x110];
	v14 =	vadd.f32 v14, v59  }
0x4c: {  	v12 =	vld [tilespmem:$0x190];
	v15 =	vpop (erf)  }
0x4d: {  	(erf) = vpow2.f32 v13;
	v13 =	vld [tilespmem:$0x210];
	v14 =	vadd.f32 v14, v15  }
0x4e: {  	v16 =	vpop (erf);
	v15 =	vld [tilespmem:$0x290]  }
0x4f: {  	v17 =	vmax.f32 v5, v9;
	v14 =	vadd.f32 v14, v16;
	v16 =	vld [tilespmem:$0x310]  }
0x50: {  	v19 =	vld [tilespmem:$0x390];
	v18 =	vpop (erf);
	v17 =	vmax.f32 v17, v11  }
0x51: {  	v17 =	vmax.f32 v17, v12;
	v14 =	vadd.f32 v14, v18  }
0x52: {  	v17 =	vmax.f32 v17, v13;
	v60 =	vpop (erf)  }
0x53: {  	v17 =	vmax.f32 v17, v15;
	v14 =	vadd.f32 v14, v60  }
0x54: {  	v61 =	vpop (erf);
	v17 =	vmax.f32 v17, v16  }
0x55: {  	v18 =	vadd.f32 v14, v61;
	v14 =	vmax.f32 v17, v19  }
0x56: {  	v62 =	vpop (erf);
	v20 =	vsub.f32 v5, v14  }
0x57: {  	v63 =	vsub.f32 v9, v14;
	v17 =	vadd.f32 v18, v62  }
0x58: {  	v20 =	vmul.f32 $1.442695020e+00, v20  }
0x59: {  	v25 =	vsub.f32 v11, v14;
	v24 =	vmul.f32 $1.442695020e+00, v63;
	(erf) = vrcp.f32 v17  }
0x5a: {  	(erf) = vpow2.f32 v20  }
0x5b: {  	v27 =	vsub.f32 v12, v14;
	v26 =	vmul.f32 $1.442695020e+00, v25;
	(erf) = vpow2.f32 v24;
	_ =	sdelay $0x1  }
0x5c: {  	v29 =	vsub.f32 v13, v14;
	v28 =	vmul.f32 $1.442695020e+00, v27;
	(erf) = vpow2.f32 v26;
	_ =	sdelay $0x1  }
0x5d: {  	v31 =	vsub.f32 v15, v14;
	v30 =	vmul.f32 $1.442695020e+00, v29;
	(erf) = vpow2.f32 v28;
	_ =	sdelay $0x1  }
0x5e: {  	v33 =	vsub.f32 v16, v14;
	v32 =	vmul.f32 $1.442695020e+00, v31;
	(erf) = vpow2.f32 v30  }
0x5f: {  	v18 =	vpop (erf)  }
0x60: {  	v22 =	vsub.f32 v19, v14;
	v19 =	vld [tilespmem:$0xA0];
	v20 =	vmul.f32 $1.442695020e+00, v33;
	v21 =	vpop (erf);
	(erf) = vpow2.f32 v32  }
0x61: {  	v17 =	vld [tilespmem:$0x20];
	v23 =	vpop (erf)  }
0x62: {  	v22 =	vmul.f32 $1.442695020e+00, v22;
	(erf) = vpow2.f32 v20;
	v20 =	vld [tilespmem:$0x120];
	v23 =	vadd.f32 v23, v21  }
0x63: {  	v24 =	vpop (erf);
	v21 =	vld [tilespmem:$0x1A0]  }
0x64: {  	(erf) = vpow2.f32 v22;
	v22 =	vld [tilespmem:$0x220];
	v23 =	vadd.f32 v23, v24  }
0x65: {  	v25 =	vpop (erf);
	v24 =	vld [tilespmem:$0x2A0]  }
0x66: {  	v26 =	vld [tilespmem:$0x320];
	v34 =	vmax.f32 v17, v19;
	v23 =	vadd.f32 v23, v25  }
0x67: {  	v28 =	vld [tilespmem:$0x3A0];
	v27 =	vpop (erf);
	v25 =	vmax.f32 v34, v20  }
0x68: {  	v25 =	vmax.f32 v25, v21;
	v23 =	vadd.f32 v23, v27  }
0x69: {  	v25 =	vmax.f32 v25, v22;
	v35 =	vpop (erf)  }
0x6a: {  	v25 =	vmax.f32 v25, v24;
	v23 =	vadd.f32 v23, v35  }
0x6b: {  	v36 =	vpop (erf);
	v25 =	vmax.f32 v25, v26  }
0x6c: {  	v27 =	vadd.f32 v23, v36;
	v23 =	vmax.f32 v25, v28  }
0x6d: {  	v37 =	vpop (erf);
	v29 =	vsub.f32 v17, v23  }
0x6e: {  	v38 =	vsub.f32 v19, v23;
	v25 =	vadd.f32 v27, v37  }
0x6f: {  	v29 =	vmul.f32 $1.442695020e+00, v29  }
0x70: {  	v40 =	vsub.f32 v20, v23;
	v39 =	vmul.f32 $1.442695020e+00, v38;
	(erf) = vrcp.f32 v25  }
0x71: {  	(erf) = vpow2.f32 v29  }
0x72: {  	v42 =	vsub.f32 v21, v23;
	v41 =	vmul.f32 $1.442695020e+00, v40;
	(erf) = vpow2.f32 v39;
	_ =	sdelay $0x1  }
0x73: {  	v44 =	vsub.f32 v22, v23;
	v43 =	vmul.f32 $1.442695020e+00, v42;
	(erf) = vpow2.f32 v41;
	_ =	sdelay $0x1  }
0x74: {  	v46 =	vsub.f32 v24, v23;
	v45 =	vmul.f32 $1.442695020e+00, v44;
	(erf) = vpow2.f32 v43;
	_ =	sdelay $0x1  }
0x75: {  	v48 =	vsub.f32 v26, v23;
	v47 =	vmul.f32 $1.442695020e+00, v46;
	(erf) = vpow2.f32 v45  }
0x76: {  	v29 =	vpop (erf)  }
0x77: {  	v28 =	vsub.f32 v28, v23;
	v27 =	vld [tilespmem:$0xB0];
	v31 =	vmul.f32 $1.442695020e+00, v48;
	v30 =	vpop (erf);
	(erf) = vpow2.f32 v47  }
0x78: {  	v25 =	vld [tilespmem:$0x30];
	v32 =	vpop (erf)  }
0x79: {  	v28 =	vmul.f32 $1.442695020e+00, v28;
	(erf) = vpow2.f32 v31;
	v31 =	vld [tilespmem:$0x130];
	v30 =	vadd.f32 v32, v30  }
0x7a: {  	v33 =	vld [tilespmem:$0x1B0];
	v49 =	vpop (erf)  }
0x7b: {  	(erf) = vpow2.f32 v28;
	v28 =	vld [tilespmem:$0x230];
	v30 =	vadd.f32 v30, v49  }
0x7c: {  	v34 =	vld [tilespmem:$0x2B0];
	v50 =	vpop (erf)  }
0x7d: {  	v35 =	vmax.f32 v25, v27;
	v32 =	vld [tilespmem:$0x330];
	v30 =	vadd.f32 v30, v50  }
0x7e: {  	v37 =	vld [tilespmem:$0x3B0];
	v36 =	vpop (erf);
	v35 =	vmax.f32 v35, v31  }
0x7f: {  	v35 =	vmax.f32 v35, v33;
	v30 =	vadd.f32 v30, v36  }
0x80: {  	v35 =	vmax.f32 v35, v28;
	v51 =	vpop (erf)  }
0x81: {  	v35 =	vmax.f32 v35, v34;
	v30 =	vadd.f32 v30, v51  }
0x82: {  	v52 =	vpop (erf);
	v35 =	vmax.f32 v35, v32  }
0x83: {  	v35 =	vmax.f32 v35, v37;
	v30 =	vadd.f32 v30, v52  }
0x84: {  	v53 =	vpop (erf);
	v38 =	vsub.f32 v25, v35  }
0x85: {  	v54 =	vsub.f32 v27, v35;
	v30 =	vadd.f32 v30, v53  }
0x86: {  	v38 =	vmul.f32 $1.442695020e+00, v38  }
0x87: {  	v56 =	vsub.f32 v31, v35;
	v55 =	vmul.f32 $1.442695020e+00, v54;
	(erf) = vrcp.f32 v30  }
0x88: {  	(erf) = vpow2.f32 v38  }
0x89: {  	v58 =	vsub.f32 v33, v35;
	v57 =	vmul.f32 $1.442695020e+00, v56;
	(erf) = vpow2.f32 v55;
	_ =	sdelay $0x1  }
0x8a: {  	v60 =	vsub.f32 v28, v35;
	v59 =	vmul.f32 $1.442695020e+00, v58;
	(erf) = vpow2.f32 v57;
	_ =	sdelay $0x1  }
0x8b: {  	v62 =	vsub.f32 v34, v35;
	v61 =	vmul.f32 $1.442695020e+00, v60;
	(erf) = vpow2.f32 v59;
	_ =	sdelay $0x1  }
0x8c: {  	v42 =	vsub.f32 v32, v35;
	v63 =	vmul.f32 $1.442695020e+00, v62;
	(erf) = vpow2.f32 v61  }
0x8d: {  	v43 =	vpop (erf)  }
0x8e: {  	v45 =	vsub.f32 v37, v35;
	v44 =	vmul.f32 $1.442695020e+00, v42;
	(erf) = vpow2.f32 v63;
	v39 =	vpop (erf)  }
0x8f: {  	v46 =	vpop (erf)  }
0x90: {  	v47 =	vmul.f32 $1.442695020e+00, v45;
	(erf) = vpow2.f32 v44;
	v37 =	vadd.f32 v46, v39  }
0x91: {  	v48 =	vpop (erf)  }
0x92: {  	(erf) = vpow2.f32 v47;
	v36 =	vadd.f32 v37, v48  }
0x93: {  	v49 =	vpop (erf)  }
0x94: {  	vm0 =	veq.f32 v10, v6;
	vm1 =	veq.f32 v8, v6;
	v50 =	vadd.f32 v36, v49  }
0x95: {  	vm14 =	veq.f32 v7, v6;
	vm15 =	veq.f32 v4, v6;
	vm4 =	veq.f32 v3, v6;
	v51 =	vpop (erf)  }
0x96: {  	vm5 =	veq.f32 v2, v6;
	vm6 =	veq.f32 v1, v6;
	v54 =	vadd.f32 v50, v51  }
0x97: {  	vm7 =	veq.f32 v16, v14;
	vm8 =	veq.f32 v15, v14;
	vm9 =	veq.f32 v13, v14;
	v55 =	vpop (erf)  }
0x98: {  	vm10 =	veq.f32 v12, v14;
	v52 =	vsel vm0, $0x6, v0;
	v57 =	vadd.f32 v54, v55  }
0x99: {  	vm11 =	veq.f32 v11, v14;
	vm12 =	veq.f32 v26, v23;
	v53 =	vsel vm1, $0x5, v52;
	v58 =	vpop (erf)  }
0x9a: {  	vm13 =	veq.f32 v24, v23;
	v56 =	vsel vm14, $0x4, v53;
	v1 =	vadd.f32 v57, v58  }
0x9b: {  	v60 =	vadd.f32 v18, v18;
	vm14 =	veq.f32 v9, v14;
	v3 =	vsel vm15, $0x3, v56;
	v59 =	vpop (erf)  }
0x9c: {  	vm15 =	veq.f32 v22, v23;
	v2 =	vsel vm4, $0x2, v3;
	v1 =	vadd.f32 v1, v59  }
0x9d: {  	v3 =	vsel vm7, $0x6, v0;
	vm4 =	veq.f32 v21, v23;
	vm7 =	veq.f32 v19, v23  }
0x9e: {  	v2 =	vsel vm5, $0x1, v2;
	v3 =	vsel vm8, $0x5, v3;
	(erf) = vrcp.f32 v1  }
0x9f: {  	vm5 =	veq.f32 v5, v14;
	vm8 =	veq.f32 v32, v35;
	v2 =	vsel vm6, $0x0, v2  }
0xa0: {  	v3 =	vsel vm9, $0x4, v3;
	vm6 =	veq.f32 v20, v23;
	vm9 =	veq.f32 v34, v35  }
0xa1: {  	v62 =	vsel vm8, $0x6, v0;
	v3 =	vsel vm10, $0x3, v3;
	vm10 =	veq.f32 v17, v23  }
0xa2: {  	[tilespmem:$0x480] =	vst v2;
	v2 =	vsel vm9, $0x5, v62;
	v1 =	vsel vm11, $0x2, v3;
	v3 =	vsel vm12, $0x6, v0  }
0xa3: {  	v61 =	vadd.f32 v29, v29;
	v3 =	vsel vm13, $0x5, v3;
	v1 =	vsel vm14, $0x1, v1  }
0xa4: {  	v63 =	vadd.f32 v43, v43;
	v3 =	vsel vm15, $0x4, v3;
	v1 =	vsel vm5, $0x0, v1  }
0xa5: {  	[tilespmem:$0x400] =	vst v60;
	vm11 =	veq.f32 v28, v35;
	vm12 =	veq.f32 v33, v35;
	v3 =	vsel vm4, $0x3, v3  }
0xa6: {  	[tilespmem:$0x410] =	vst v61;
	v2 =	vsel vm11, $0x4, v2;
	vm13 =	veq.f32 v31, v35;
	v3 =	vsel vm6, $0x2, v3  }
0xa7: {  	vm14 =	veq.f32 v27, v35;
	v2 =	vsel vm12, $0x3, v2;
	[tilespmem:$0x490] =	vst v1;
	v3 =	vsel vm7, $0x1, v3;
	v1 =	vpop (erf)  }
0xa8: {  	[tilespmem:$0x420] =	vst v63;
	v2 =	vsel vm13, $0x2, v2;
	v3 =	vsel vm10, $0x0, v3;
	v1 =	vadd.f32 v1, v1  }
0xa9: {  	vm15 =	veq.f32 v25, v35;
	v2 =	vsel vm14, $0x1, v2;
	[tilespmem:$0x4A0] =	vst v3  }
0xaa: {  	[tilespmem:$0x430] =	vst v1;
	v1 =	vsel vm15, $0x0, v2  }
0xab: {  	[tilespmem:$0x4B0] =	vst v1  }
0xac: {  	[hbm4b:s11+s2] =	stream.linear.scatter [tilespmem:s22], [sflag:$0x1], $0x40, $0x38;
	[tilespmem:$0x500] =	vst v63  }
0xad: {  	_ =	swait.ge [sflag:s14], $0x40  }
0xae: {  	p0 =	sne.s32 s13, $0x1;
	[sflag:s14] =	ssyncset.done $0x0  }
.Ltmp0:
0xaf: {  	[sflag:s14] =	ssyncadd.s32 $0xFFFFFFC0;
	(pc) =	sbr.rel @p0 .LBB2_1-.Ltmp0, $4  }
0xb0: {  	[hbm4b:s12+s2] =	stream.linear.scatter [tilespmem:s23], [sflag:$0x1], $0x40, $0x38;
	[tilespmem:$0x500] =	vst v63  }
0xb1: {  	_ =	swait.ge [sflag:s14], $0x40  }
0xb2: {  	[sflag:s14] =	ssyncset.done $0x0  }
0xb3: {  	s13 =	sadd.s32 $0xFFFFFFFF, s13;
	[sflag:s14] =	ssyncadd.s32 $0xFFFFFFC0  }
0xb4: {  	_ =	sfence.sel $0x180000  }
0xb5: {  	[bflag:$0x0] =	sbarrier.arrive $0xFFFF  }
0xb6: {  	p0 =	sne.s32 s1, $0x0;
	_ =	strace $0x90000047  }
0xb7: {  	s0 =	sadd.s32 @!p0 $0x100000, s0;
	[bflag:$0x2] =	sbarrier.arrive $0xFFFF  }
0xb8: {  	[sflag:s0] =	ssyncadd.tile.s32 @!p0 $0x1;
	_ =	shalt  }
.Lfunc_end2:
_tile_overlayer_lowered:
.L_overlay_start_2:
0xb9: {  	(tag) =	ssettag $0x2  }
0xba: {  	s0 =	rddreg [dreg:$0x0];
	s2 =	stileid.u32  }
0xbb: {  	s1 =	rddreg [dreg:$0x1];
	p0 =	sne.s32 s2, $0x0  }
0xbc: {  	s3 =	rddreg [dreg:$0x2];
	[bflag:$0x3] =	sbarrier.arrive $0xFFFF;
	s2 =	simm.s32 @!p0 $0x1C01  }
0xbd: {  	[timem:s3], [sflag:s2] =	dma.local @!p0 [hbm:s0], s1  }
0xbe: {  	s0 =	simm.s32 @!p0 $0x1  }
0xbf: {  	_ =	swait.ge @!p0 [sflag:s0], s1  }
0xc0: {  	s1 =	ssub.s32 @!p0 $0x0, s1;
	[sflag:s0] =	ssyncset.done @!p0 $0x0  }
0xc1: {  	[sflag:s0] =	ssyncadd.s32 @!p0 s1  }
0xc2: {  	[bflag:$0x3] =	sbarrier.arrive $0xFFFF  }
0xc3: {  	_ =	shalt  }

</sc_bundles>
